<compile_context>
chip_gen: v7x
topology: tpu7x:2x2x1
jax: 0.10.2.dev20260603
libtpu: 0.0.44.dev20260713+nightly
codegen_flags: <defaults>
</compile_context>

<pallas_src>
import functools

import jax
import jax.numpy as jnp
from jax import lax
from jax.experimental import pallas as pl
from jax.experimental.pallas import tpu as pltpu
from jax.experimental.pallas import tpu_sc as plsc

_B = 16384
_D = 128
_CHUNK = 128

_NBUF = 6
_LAG = 2


def _build():
    info = plsc.get_sparse_core_info()
    nc, ns = info.num_cores, info.num_subcores
    nw = nc * ns
    b_per_w = _B // nw
    n_chunks = b_per_w // _CHUNK
    n_t = 3 * n_chunks
    mesh = plsc.VectorSubcoreMesh(core_axis_name="c", subcore_axis_name="s")
    out_t = jax.ShapeDtypeStruct((_B, _D), jnp.float32)

    @functools.partial(
        pl.kernel,
        out_type=(out_t, out_t, out_t),
        mesh=mesh,
        scratch_types=[
            pltpu.VMEM((n_chunks, _CHUNK), jnp.int32),
            pltpu.VMEM((n_chunks, _CHUNK), jnp.int32),
            pltpu.VMEM((n_chunks, _CHUNK), jnp.int32),
            pltpu.SemaphoreType.DMA,
            pltpu.SemaphoreType.DMA,
            pltpu.SemaphoreType.DMA,
        ] + [pltpu.VMEM((_CHUNK, _D), jnp.float32)] * _NBUF
          + [pltpu.SemaphoreType.DMA] * (2 * _NBUF),
    )
    def k(iqe_hbm, iqr_hbm, ioe_hbm, ent_hbm, rel_hbm,
          out_qe, out_qr, out_oe, iv0, iv1, iv2, is0, is1, is2, *rest):
        bufs = rest[:_NBUF]
        gsems = rest[_NBUF:2 * _NBUF]
        wsems = rest[2 * _NBUF:]
        wid = lax.axis_index("s") * nc + lax.axis_index("c")
        idx_v = (iv0, iv1, iv2)
        isems = (is0, is1, is2)
        icpy = [pltpu.make_async_copy(src.at[wid], dst, sem)
                for src, dst, sem in zip((iqe_hbm, iqr_hbm, ioe_hbm),
                                         idx_v, isems)]
        for c in icpy:
            c.start()

        tables = (ent_hbm, rel_hbm, ent_hbm)
        outs = (out_qe, out_qr, out_oe)
        base = wid * b_per_w
        idx_ready = [False, False, False]

        def gather(t):
            g, j = divmod(t, n_chunks)
            if not idx_ready[g]:
                icpy[g].wait()
                idx_ready[g] = True
            return pltpu.make_async_copy(
                tables[g].at[idx_v[g].at[j]],
                bufs[t % _NBUF], gsems[t % _NBUF])

        def writeout(t):
            g, j = divmod(t, n_chunks)
            return pltpu.make_async_copy(
                bufs[t % _NBUF],
                outs[g].at[pl.ds(base + j * _CHUNK, _CHUNK)],
                wsems[t % _NBUF])

        for t in range(_NBUF):
            gather(t).start()
        for t in range(n_t):
            gather(t).wait()
            writeout(t).start()
            s = t - _LAG
            if s >= 0 and s + _NBUF < n_t:
                writeout(s).wait()
                gather(s + _NBUF).start()
        for t in range(n_t - _NBUF, n_t):
            writeout(t).wait()

    return k


_kernel_fn = _build()


def kernel(query_entities, query_relations, obj_entities, ent_table, rel_table):
    nw = 32
    per_w = _B // nw // _CHUNK
    shp = (nw, per_w, _CHUNK)
    return _kernel_fn(query_entities.reshape(shp),
                      query_relations.reshape(shp),
                      obj_entities.reshape(shp),
                      ent_table, rel_table)

# --- scband reference (transcript-rebuilt; emitter-appended) ---
"""Pipeline reference for scband-trans-e-11879879541069 (READ-ONLY COPY).

The authoritative reference and input builder live on the scoring server;
editing this copy changes nothing except your own understanding.
"""

import jax, jax.numpy as jnp
import numpy as np

N_ENT = 100000
N_REL = 1000
D_MODEL = 128
BATCH = 16384

def setup_inputs(seed: int = 0) -> dict:
    key = jax.random.key(seed)
    k1, k2, k3, k4, k5 = jax.random.split(key, 5)
    query_entities = jax.random.randint(k1, (BATCH,), 0, N_ENT, dtype=jnp.int32)
    query_relations = jax.random.randint(k2, (BATCH,), 0, N_REL, dtype=jnp.int32)
    obj_entities = jax.random.randint(k3, (BATCH,), 0, N_ENT, dtype=jnp.int32)
    ent_table = jax.random.normal(k4, (N_ENT, D_MODEL), dtype=jnp.float32) * 0.02
    rel_table = jax.random.normal(k5, (N_REL, D_MODEL), dtype=jnp.float32) * 0.02
    return {
        "query_entities": query_entities,
        "query_relations": query_relations,
        "obj_entities": obj_entities,
        "ent_table": ent_table,
        "rel_table": rel_table,
    }

def reference(query_entities, query_relations, obj_entities, ent_table, rel_table):
    # Faithful translation of TransE.forward: three embedding gathers.
    # encoder.get_rel_embedding(query_relations) -> rel_table[query_relations]
    # encoder.get_ent_embedding(query_entities)  -> ent_table[query_entities]
    # encoder.get_ent_embedding(obj_entities)    -> ent_table[obj_entities]
    query_rel_embeds = jnp.take(rel_table, query_relations, axis=0)
    query_ent_embeds = jnp.take(ent_table, query_entities, axis=0)
    obj_embeds = jnp.take(ent_table, obj_entities, axis=0)
    return (query_ent_embeds, query_rel_embeds, obj_embeds)

if __name__ == "__main__":
    import jax
    _d = setup_inputs()
    print(jax.jit(kernel)(*tuple(_d.values())))

</pallas_src>

<mosaic_0001>
#map = affine_map<(d0, d1) -> (0, 0, 0)>
#map1 = affine_map<(d0, d1) -> (0, 0)>
module attributes {stable_mosaic.version = 14 : i64} {
  func.func @k(%arg0: i32, %arg1: i32, %arg2: memref<32x4x128xi32, #tpu.memory_space<hbm>>, %arg3: memref<32x4x128xi32, #tpu.memory_space<hbm>>, %arg4: memref<32x4x128xi32, #tpu.memory_space<hbm>>, %arg5: memref<100000x128xf32, #tpu.memory_space<hbm>>, %arg6: memref<1000x128xf32, #tpu.memory_space<hbm>>, %arg7: memref<16384x128xf32, #tpu.memory_space<hbm>>, %arg8: memref<16384x128xf32, #tpu.memory_space<hbm>>, %arg9: memref<16384x128xf32, #tpu.memory_space<hbm>>, %arg10: memref<4x128xi32, #tpu.memory_space<vmem>>, %arg11: memref<4x128xi32, #tpu.memory_space<vmem>>, %arg12: memref<4x128xi32, #tpu.memory_space<vmem>>, %arg13: memref<!tpu.dma_semaphore, #tpu.memory_space<semaphore_mem>>, %arg14: memref<!tpu.dma_semaphore, #tpu.memory_space<semaphore_mem>>, %arg15: memref<!tpu.dma_semaphore, #tpu.memory_space<semaphore_mem>>, %arg16: memref<128x128xf32, #tpu.memory_space<vmem>>, %arg17: memref<128x128xf32, #tpu.memory_space<vmem>>, %arg18: memref<128x128xf32, #tpu.memory_space<vmem>>, %arg19: memref<128x128xf32, #tpu.memory_space<vmem>>, %arg20: memref<128x128xf32, #tpu.memory_space<vmem>>, %arg21: memref<128x128xf32, #tpu.memory_space<vmem>>, %arg22: memref<!tpu.dma_semaphore, #tpu.memory_space<semaphore_mem>>, %arg23: memref<!tpu.dma_semaphore, #tpu.memory_space<semaphore_mem>>, %arg24: memref<!tpu.dma_semaphore, #tpu.memory_space<semaphore_mem>>, %arg25: memref<!tpu.dma_semaphore, #tpu.memory_space<semaphore_mem>>, %arg26: memref<!tpu.dma_semaphore, #tpu.memory_space<semaphore_mem>>, %arg27: memref<!tpu.dma_semaphore, #tpu.memory_space<semaphore_mem>>, %arg28: memref<!tpu.dma_semaphore, #tpu.memory_space<semaphore_mem>>, %arg29: memref<!tpu.dma_semaphore, #tpu.memory_space<semaphore_mem>>, %arg30: memref<!tpu.dma_semaphore, #tpu.memory_space<semaphore_mem>>, %arg31: memref<!tpu.dma_semaphore, #tpu.memory_space<semaphore_mem>>, %arg32: memref<!tpu.dma_semaphore, #tpu.memory_space<semaphore_mem>>, %arg33: memref<!tpu.dma_semaphore, #tpu.memory_space<semaphore_mem>>) attributes {dimension_semantics = [#tpu.dimension_semantics<core_parallel>, #tpu.dimension_semantics<subcore_parallel>], iteration_bounds = array<i64: 2, 16>, scalar_prefetch = 0 : i64, scratch_operands = 24 : i64, tpu.core_type = #tpu.core_type<sc_vector_subcore>, window_params = [{transform_indices = #map}, {transform_indices = #map}, {transform_indices = #map}, {transform_indices = #map1}, {transform_indices = #map1}, {transform_indices = #map1}, {transform_indices = #map1}, {transform_indices = #map1}]} {
    %mul3A = arith.constant 2 : i32
    %mul3A_0 = arith.muli %arg1, %mul3A : i32
    %add3A = arith.addi %mul3A_0, %arg0 : i32
    %dma_start3A = arith.constant 0 : i32
    %dma_start3A_1 = arith.constant 0 : i32
    %dma_start3A_2 = tpu.memref_slice %arg2[%add3A, %dma_start3A, %dma_start3A_1] : memref<32x4x128xi32, #tpu.memory_space<hbm>> -> memref<1x4x128xi32, #tpu.memory_space<hbm>>
    %dma_start3A_3 = tpu.memref_squeeze %dma_start3A_2 : memref<1x4x128xi32, #tpu.memory_space<hbm>> -> memref<4x128xi32, #tpu.memory_space<hbm>>
    %dma_start3A_4 = arith.constant 0 : i32
    %dma_start3A_5 = arith.constant 0 : i32
    %dma_start3A_6 = tpu.memref_slice %arg2[%add3A, %dma_start3A_4, %dma_start3A_5] : memref<32x4x128xi32, #tpu.memory_space<hbm>> -> memref<1x4x128xi32, #tpu.memory_space<hbm>>
    %dma_start3A_7 = tpu.memref_squeeze %dma_start3A_6 : memref<1x4x128xi32, #tpu.memory_space<hbm>> -> memref<4x128xi32, #tpu.memory_space<hbm>>
    tpu.enqueue_dma source(%dma_start3A_7 : memref<4x128xi32, #tpu.memory_space<hbm>>) target(%arg10 : memref<4x128xi32, #tpu.memory_space<vmem>>) target_semaphore(%arg13 : memref<!tpu.dma_semaphore, #tpu.memory_space<semaphore_mem>>)
    %dma_start3A_8 = arith.constant 0 : i32
    %dma_start3A_9 = arith.constant 0 : i32
    %dma_start3A_10 = tpu.memref_slice %arg3[%add3A, %dma_start3A_8, %dma_start3A_9] : memref<32x4x128xi32, #tpu.memory_space<hbm>> -> memref<1x4x128xi32, #tpu.memory_space<hbm>>
    %dma_start3A_11 = tpu.memref_squeeze %dma_start3A_10 : memref<1x4x128xi32, #tpu.memory_space<hbm>> -> memref<4x128xi32, #tpu.memory_space<hbm>>
    %dma_start3A_12 = arith.constant 0 : i32
    %dma_start3A_13 = arith.constant 0 : i32
    %dma_start3A_14 = tpu.memref_slice %arg3[%add3A, %dma_start3A_12, %dma_start3A_13] : memref<32x4x128xi32, #tpu.memory_space<hbm>> -> memref<1x4x128xi32, #tpu.memory_space<hbm>>
    %dma_start3A_15 = tpu.memref_squeeze %dma_start3A_14 : memref<1x4x128xi32, #tpu.memory_space<hbm>> -> memref<4x128xi32, #tpu.memory_space<hbm>>
    tpu.enqueue_dma source(%dma_start3A_15 : memref<4x128xi32, #tpu.memory_space<hbm>>) target(%arg11 : memref<4x128xi32, #tpu.memory_space<vmem>>) target_semaphore(%arg14 : memref<!tpu.dma_semaphore, #tpu.memory_space<semaphore_mem>>)
    %dma_start3A_16 = arith.constant 0 : i32
    %dma_start3A_17 = arith.constant 0 : i32
    %dma_start3A_18 = tpu.memref_slice %arg4[%add3A, %dma_start3A_16, %dma_start3A_17] : memref<32x4x128xi32, #tpu.memory_space<hbm>> -> memref<1x4x128xi32, #tpu.memory_space<hbm>>
    %dma_start3A_19 = tpu.memref_squeeze %dma_start3A_18 : memref<1x4x128xi32, #tpu.memory_space<hbm>> -> memref<4x128xi32, #tpu.memory_space<hbm>>
    %dma_start3A_20 = arith.constant 0 : i32
    %dma_start3A_21 = arith.constant 0 : i32
    %dma_start3A_22 = tpu.memref_slice %arg4[%add3A, %dma_start3A_20, %dma_start3A_21] : memref<32x4x128xi32, #tpu.memory_space<hbm>> -> memref<1x4x128xi32, #tpu.memory_space<hbm>>
    %dma_start3A_23 = tpu.memref_squeeze %dma_start3A_22 : memref<1x4x128xi32, #tpu.memory_space<hbm>> -> memref<4x128xi32, #tpu.memory_space<hbm>>
    tpu.enqueue_dma source(%dma_start3A_23 : memref<4x128xi32, #tpu.memory_space<hbm>>) target(%arg12 : memref<4x128xi32, #tpu.memory_space<vmem>>) target_semaphore(%arg15 : memref<!tpu.dma_semaphore, #tpu.memory_space<semaphore_mem>>)
    %mul3A_24 = arith.constant 512 : i32
    %mul3A_25 = arith.muli %add3A, %mul3A_24 : i32
    %dma_wait3A = arith.constant 0 : i32
    %dma_wait3A_26 = arith.constant 0 : i32
    %dma_wait3A_27 = tpu.memref_slice %arg2[%add3A, %dma_wait3A, %dma_wait3A_26] : memref<32x4x128xi32, #tpu.memory_space<hbm>> -> memref<1x4x128xi32, #tpu.memory_space<hbm>>
    %dma_wait3A_28 = tpu.memref_squeeze %dma_wait3A_27 : memref<1x4x128xi32, #tpu.memory_space<hbm>> -> memref<4x128xi32, #tpu.memory_space<hbm>>
    %dma_wait3A_29 = arith.constant 0 : i32
    %dma_wait3A_30 = arith.constant 0 : i32
    %dma_wait3A_31 = tpu.memref_slice %arg2[%add3A, %dma_wait3A_29, %dma_wait3A_30] : memref<32x4x128xi32, #tpu.memory_space<hbm>> -> memref<1x4x128xi32, #tpu.memory_space<hbm>>
    %dma_wait3A_32 = tpu.memref_squeeze %dma_wait3A_31 : memref<1x4x128xi32, #tpu.memory_space<hbm>> -> memref<4x128xi32, #tpu.memory_space<hbm>>
    tpu.wait_dma2 semaphore(%arg13 : memref<!tpu.dma_semaphore, #tpu.memory_space<semaphore_mem>>) src(%dma_wait3A_32 : memref<4x128xi32, #tpu.memory_space<hbm>>) dst(%arg10 : memref<4x128xi32, #tpu.memory_space<vmem>>)
    %dma_start3A_33 = arith.constant 0 : i32
    %dma_start3A_34 = arith.constant 0 : i32
    %dma_start3A_35 = tpu.memref_slice %arg10[%dma_start3A_33, %dma_start3A_34] : memref<4x128xi32, #tpu.memory_space<vmem>> -> memref<1x128xi32, #tpu.memory_space<vmem>>
    %dma_start3A_36 = tpu.memref_squeeze %dma_start3A_35 : memref<1x128xi32, #tpu.memory_space<vmem>> -> memref<128xi32, #tpu.memory_space<vmem>>
    %dma_start3A_37 = arith.constant 0 : i32
    %dma_start3A_38 = arith.constant 0 : i32
    %dma_start3A_39 = tpu.memref_slice %arg5[%dma_start3A_37, %dma_start3A_38] : memref<100000x128xf32, #tpu.memory_space<hbm>> -> memref<100000x128xf32, #tpu.memory_space<hbm>>
    tpu.enqueue_indirect_dma source(%dma_start3A_39 : memref<100000x128xf32, #tpu.memory_space<hbm>>) target(%arg16 : memref<128x128xf32, #tpu.memory_space<vmem>>) offsets(%dma_start3A_36 : memref<128xi32, #tpu.memory_space<vmem>>) semaphore(%arg22 : memref<!tpu.dma_semaphore, #tpu.memory_space<semaphore_mem>>)
    %dma_start3A_40 = arith.constant 1 : i32
    %dma_start3A_41 = arith.constant 0 : i32
    %dma_start3A_42 = tpu.memref_slice %arg10[%dma_start3A_40, %dma_start3A_41] : memref<4x128xi32, #tpu.memory_space<vmem>> -> memref<1x128xi32, #tpu.memory_space<vmem>>
    %dma_start3A_43 = tpu.memref_squeeze %dma_start3A_42 : memref<1x128xi32, #tpu.memory_space<vmem>> -> memref<128xi32, #tpu.memory_space<vmem>>
    %dma_start3A_44 = arith.constant 0 : i32
    %dma_start3A_45 = arith.constant 0 : i32
    %dma_start3A_46 = tpu.memref_slice %arg5[%dma_start3A_44, %dma_start3A_45] : memref<100000x128xf32, #tpu.memory_space<hbm>> -> memref<100000x128xf32, #tpu.memory_space<hbm>>
    tpu.enqueue_indirect_dma source(%dma_start3A_46 : memref<100000x128xf32, #tpu.memory_space<hbm>>) target(%arg17 : memref<128x128xf32, #tpu.memory_space<vmem>>) offsets(%dma_start3A_43 : memref<128xi32, #tpu.memory_space<vmem>>) semaphore(%arg23 : memref<!tpu.dma_semaphore, #tpu.memory_space<semaphore_mem>>)
    %dma_start3A_47 = arith.constant 2 : i32
    %dma_start3A_48 = arith.constant 0 : i32
    %dma_start3A_49 = tpu.memref_slice %arg10[%dma_start3A_47, %dma_start3A_48] : memref<4x128xi32, #tpu.memory_space<vmem>> -> memref<1x128xi32, #tpu.memory_space<vmem>>
    %dma_start3A_50 = tpu.memref_squeeze %dma_start3A_49 : memref<1x128xi32, #tpu.memory_space<vmem>> -> memref<128xi32, #tpu.memory_space<vmem>>
    %dma_start3A_51 = arith.constant 0 : i32
    %dma_start3A_52 = arith.constant 0 : i32
    %dma_start3A_53 = tpu.memref_slice %arg5[%dma_start3A_51, %dma_start3A_52] : memref<100000x128xf32, #tpu.memory_space<hbm>> -> memref<100000x128xf32, #tpu.memory_space<hbm>>
    tpu.enqueue_indirect_dma source(%dma_start3A_53 : memref<100000x128xf32, #tpu.memory_space<hbm>>) target(%arg18 : memref<128x128xf32, #tpu.memory_space<vmem>>) offsets(%dma_start3A_50 : memref<128xi32, #tpu.memory_space<vmem>>) semaphore(%arg24 : memref<!tpu.dma_semaphore, #tpu.memory_space<semaphore_mem>>)
    %dma_start3A_54 = arith.constant 3 : i32
    %dma_start3A_55 = arith.constant 0 : i32
    %dma_start3A_56 = tpu.memref_slice %arg10[%dma_start3A_54, %dma_start3A_55] : memref<4x128xi32, #tpu.memory_space<vmem>> -> memref<1x128xi32, #tpu.memory_space<vmem>>
    %dma_start3A_57 = tpu.memref_squeeze %dma_start3A_56 : memref<1x128xi32, #tpu.memory_space<vmem>> -> memref<128xi32, #tpu.memory_space<vmem>>
    %dma_start3A_58 = arith.constant 0 : i32
    %dma_start3A_59 = arith.constant 0 : i32
    %dma_start3A_60 = tpu.memref_slice %arg5[%dma_start3A_58, %dma_start3A_59] : memref<100000x128xf32, #tpu.memory_space<hbm>> -> memref<100000x128xf32, #tpu.memory_space<hbm>>
    tpu.enqueue_indirect_dma source(%dma_start3A_60 : memref<100000x128xf32, #tpu.memory_space<hbm>>) target(%arg19 : memref<128x128xf32, #tpu.memory_space<vmem>>) offsets(%dma_start3A_57 : memref<128xi32, #tpu.memory_space<vmem>>) semaphore(%arg25 : memref<!tpu.dma_semaphore, #tpu.memory_space<semaphore_mem>>)
    %dma_wait3A_61 = arith.constant 0 : i32
    %dma_wait3A_62 = arith.constant 0 : i32
    %dma_wait3A_63 = tpu.memref_slice %arg3[%add3A, %dma_wait3A_61, %dma_wait3A_62] : memref<32x4x128xi32, #tpu.memory_space<hbm>> -> memref<1x4x128xi32, #tpu.memory_space<hbm>>
    %dma_wait3A_64 = tpu.memref_squeeze %dma_wait3A_63 : memref<1x4x128xi32, #tpu.memory_space<hbm>> -> memref<4x128xi32, #tpu.memory_space<hbm>>
    %dma_wait3A_65 = arith.constant 0 : i32
    %dma_wait3A_66 = arith.constant 0 : i32
    %dma_wait3A_67 = tpu.memref_slice %arg3[%add3A, %dma_wait3A_65, %dma_wait3A_66] : memref<32x4x128xi32, #tpu.memory_space<hbm>> -> memref<1x4x128xi32, #tpu.memory_space<hbm>>
    %dma_wait3A_68 = tpu.memref_squeeze %dma_wait3A_67 : memref<1x4x128xi32, #tpu.memory_space<hbm>> -> memref<4x128xi32, #tpu.memory_space<hbm>>
    tpu.wait_dma2 semaphore(%arg14 : memref<!tpu.dma_semaphore, #tpu.memory_space<semaphore_mem>>) src(%dma_wait3A_68 : memref<4x128xi32, #tpu.memory_space<hbm>>) dst(%arg11 : memref<4x128xi32, #tpu.memory_space<vmem>>)
    %dma_start3A_69 = arith.constant 0 : i32
    %dma_start3A_70 = arith.constant 0 : i32
    %dma_start3A_71 = tpu.memref_slice %arg11[%dma_start3A_69, %dma_start3A_70] : memref<4x128xi32, #tpu.memory_space<vmem>> -> memref<1x128xi32, #tpu.memory_space<vmem>>
    %dma_start3A_72 = tpu.memref_squeeze %dma_start3A_71 : memref<1x128xi32, #tpu.memory_space<vmem>> -> memref<128xi32, #tpu.memory_space<vmem>>
    %dma_start3A_73 = arith.constant 0 : i32
    %dma_start3A_74 = arith.constant 0 : i32
    %dma_start3A_75 = tpu.memref_slice %arg6[%dma_start3A_73, %dma_start3A_74] : memref<1000x128xf32, #tpu.memory_space<hbm>> -> memref<1000x128xf32, #tpu.memory_space<hbm>>
    tpu.enqueue_indirect_dma source(%dma_start3A_75 : memref<1000x128xf32, #tpu.memory_space<hbm>>) target(%arg20 : memref<128x128xf32, #tpu.memory_space<vmem>>) offsets(%dma_start3A_72 : memref<128xi32, #tpu.memory_space<vmem>>) semaphore(%arg26 : memref<!tpu.dma_semaphore, #tpu.memory_space<semaphore_mem>>)
    %dma_start3A_76 = arith.constant 1 : i32
    %dma_start3A_77 = arith.constant 0 : i32
    %dma_start3A_78 = tpu.memref_slice %arg11[%dma_start3A_76, %dma_start3A_77] : memref<4x128xi32, #tpu.memory_space<vmem>> -> memref<1x128xi32, #tpu.memory_space<vmem>>
    %dma_start3A_79 = tpu.memref_squeeze %dma_start3A_78 : memref<1x128xi32, #tpu.memory_space<vmem>> -> memref<128xi32, #tpu.memory_space<vmem>>
    %dma_start3A_80 = arith.constant 0 : i32
    %dma_start3A_81 = arith.constant 0 : i32
    %dma_start3A_82 = tpu.memref_slice %arg6[%dma_start3A_80, %dma_start3A_81] : memref<1000x128xf32, #tpu.memory_space<hbm>> -> memref<1000x128xf32, #tpu.memory_space<hbm>>
    tpu.enqueue_indirect_dma source(%dma_start3A_82 : memref<1000x128xf32, #tpu.memory_space<hbm>>) target(%arg21 : memref<128x128xf32, #tpu.memory_space<vmem>>) offsets(%dma_start3A_79 : memref<128xi32, #tpu.memory_space<vmem>>) semaphore(%arg27 : memref<!tpu.dma_semaphore, #tpu.memory_space<semaphore_mem>>)
    %dma_wait3A_83 = arith.constant 0 : i32
    %dma_wait3A_84 = arith.constant 0 : i32
    %dma_wait3A_85 = tpu.memref_slice %arg10[%dma_wait3A_83, %dma_wait3A_84] : memref<4x128xi32, #tpu.memory_space<vmem>> -> memref<1x128xi32, #tpu.memory_space<vmem>>
    %dma_wait3A_86 = tpu.memref_squeeze %dma_wait3A_85 : memref<1x128xi32, #tpu.memory_space<vmem>> -> memref<128xi32, #tpu.memory_space<vmem>>
    %dma_wait3A_87 = arith.constant 0 : i32
    %dma_wait3A_88 = arith.constant 0 : i32
    %dma_wait3A_89 = tpu.memref_slice %arg5[%dma_wait3A_87, %dma_wait3A_88] : memref<100000x128xf32, #tpu.memory_space<hbm>> -> memref<100000x128xf32, #tpu.memory_space<hbm>>
    tpu.wait_indirect_dma semaphore(%arg22 : memref<!tpu.dma_semaphore, #tpu.memory_space<semaphore_mem>>) src(%dma_wait3A_89 : memref<100000x128xf32, #tpu.memory_space<hbm>>) dst(%arg16 : memref<128x128xf32, #tpu.memory_space<vmem>>)
    %add3A_90 = arith.constant 0 : i32
    %add3A_91 = arith.addi %mul3A_25, %add3A_90 : i32
    %dma_start3A_92 = arith.constant 0 : i32
    %dma_start3A_93 = tpu.memref_slice %arg7[%add3A_91, %dma_start3A_92] : memref<16384x128xf32, #tpu.memory_space<hbm>> -> memref<128x128xf32, #tpu.memory_space<hbm>>
    %dma_start3A_94 = arith.constant 0 : i32
    %dma_start3A_95 = tpu.memref_slice %arg7[%add3A_91, %dma_start3A_94] : memref<16384x128xf32, #tpu.memory_space<hbm>> -> memref<128x128xf32, #tpu.memory_space<hbm>>
    tpu.enqueue_dma source(%arg16 : memref<128x128xf32, #tpu.memory_space<vmem>>) target(%dma_start3A_95 : memref<128x128xf32, #tpu.memory_space<hbm>>) target_semaphore(%arg28 : memref<!tpu.dma_semaphore, #tpu.memory_space<semaphore_mem>>)
    %dma_wait3A_96 = arith.constant 1 : i32
    %dma_wait3A_97 = arith.constant 0 : i32
    %dma_wait3A_98 = tpu.memref_slice %arg10[%dma_wait3A_96, %dma_wait3A_97] : memref<4x128xi32, #tpu.memory_space<vmem>> -> memref<1x128xi32, #tpu.memory_space<vmem>>
    %dma_wait3A_99 = tpu.memref_squeeze %dma_wait3A_98 : memref<1x128xi32, #tpu.memory_space<vmem>> -> memref<128xi32, #tpu.memory_space<vmem>>
    %dma_wait3A_100 = arith.constant 0 : i32
    %dma_wait3A_101 = arith.constant 0 : i32
    %dma_wait3A_102 = tpu.memref_slice %arg5[%dma_wait3A_100, %dma_wait3A_101] : memref<100000x128xf32, #tpu.memory_space<hbm>> -> memref<100000x128xf32, #tpu.memory_space<hbm>>
    tpu.wait_indirect_dma semaphore(%arg23 : memref<!tpu.dma_semaphore, #tpu.memory_space<semaphore_mem>>) src(%dma_wait3A_102 : memref<100000x128xf32, #tpu.memory_space<hbm>>) dst(%arg17 : memref<128x128xf32, #tpu.memory_space<vmem>>)
    %add3A_103 = arith.constant 128 : i32
    %add3A_104 = arith.addi %mul3A_25, %add3A_103 : i32
    %dma_start3A_105 = arith.constant 0 : i32
    %dma_start3A_106 = tpu.memref_slice %arg7[%add3A_104, %dma_start3A_105] : memref<16384x128xf32, #tpu.memory_space<hbm>> -> memref<128x128xf32, #tpu.memory_space<hbm>>
    %dma_start3A_107 = arith.constant 0 : i32
    %dma_start3A_108 = tpu.memref_slice %arg7[%add3A_104, %dma_start3A_107] : memref<16384x128xf32, #tpu.memory_space<hbm>> -> memref<128x128xf32, #tpu.memory_space<hbm>>
    tpu.enqueue_dma source(%arg17 : memref<128x128xf32, #tpu.memory_space<vmem>>) target(%dma_start3A_108 : memref<128x128xf32, #tpu.memory_space<hbm>>) target_semaphore(%arg29 : memref<!tpu.dma_semaphore, #tpu.memory_space<semaphore_mem>>)
    %dma_wait3A_109 = arith.constant 2 : i32
    %dma_wait3A_110 = arith.constant 0 : i32
    %dma_wait3A_111 = tpu.memref_slice %arg10[%dma_wait3A_109, %dma_wait3A_110] : memref<4x128xi32, #tpu.memory_space<vmem>> -> memref<1x128xi32, #tpu.memory_space<vmem>>
    %dma_wait3A_112 = tpu.memref_squeeze %dma_wait3A_111 : memref<1x128xi32, #tpu.memory_space<vmem>> -> memref<128xi32, #tpu.memory_space<vmem>>
    %dma_wait3A_113 = arith.constant 0 : i32
    %dma_wait3A_114 = arith.constant 0 : i32
    %dma_wait3A_115 = tpu.memref_slice %arg5[%dma_wait3A_113, %dma_wait3A_114] : memref<100000x128xf32, #tpu.memory_space<hbm>> -> memref<100000x128xf32, #tpu.memory_space<hbm>>
    tpu.wait_indirect_dma semaphore(%arg24 : memref<!tpu.dma_semaphore, #tpu.memory_space<semaphore_mem>>) src(%dma_wait3A_115 : memref<100000x128xf32, #tpu.memory_space<hbm>>) dst(%arg18 : memref<128x128xf32, #tpu.memory_space<vmem>>)
    %add3A_116 = arith.constant 256 : i32
    %add3A_117 = arith.addi %mul3A_25, %add3A_116 : i32
    %dma_start3A_118 = arith.constant 0 : i32
    %dma_start3A_119 = tpu.memref_slice %arg7[%add3A_117, %dma_start3A_118] : memref<16384x128xf32, #tpu.memory_space<hbm>> -> memref<128x128xf32, #tpu.memory_space<hbm>>
    %dma_start3A_120 = arith.constant 0 : i32
    %dma_start3A_121 = tpu.memref_slice %arg7[%add3A_117, %dma_start3A_120] : memref<16384x128xf32, #tpu.memory_space<hbm>> -> memref<128x128xf32, #tpu.memory_space<hbm>>
    tpu.enqueue_dma source(%arg18 : memref<128x128xf32, #tpu.memory_space<vmem>>) target(%dma_start3A_121 : memref<128x128xf32, #tpu.memory_space<hbm>>) target_semaphore(%arg30 : memref<!tpu.dma_semaphore, #tpu.memory_space<semaphore_mem>>)
    %add3A_122 = arith.constant 0 : i32
    %add3A_123 = arith.addi %mul3A_25, %add3A_122 : i32
    %dma_wait3A_124 = arith.constant 0 : i32
    %dma_wait3A_125 = tpu.memref_slice %arg7[%add3A_123, %dma_wait3A_124] : memref<16384x128xf32, #tpu.memory_space<hbm>> -> memref<128x128xf32, #tpu.memory_space<hbm>>
    %dma_wait3A_126 = arith.constant 0 : i32
    %dma_wait3A_127 = tpu.memref_slice %arg7[%add3A_123, %dma_wait3A_126] : memref<16384x128xf32, #tpu.memory_space<hbm>> -> memref<128x128xf32, #tpu.memory_space<hbm>>
    tpu.wait_dma2 semaphore(%arg28 : memref<!tpu.dma_semaphore, #tpu.memory_space<semaphore_mem>>) src(%arg16 : memref<128x128xf32, #tpu.memory_space<vmem>>) dst(%dma_wait3A_127 : memref<128x128xf32, #tpu.memory_space<hbm>>)
    %dma_start3A_128 = arith.constant 2 : i32
    %dma_start3A_129 = arith.constant 0 : i32
    %dma_start3A_130 = tpu.memref_slice %arg11[%dma_start3A_128, %dma_start3A_129] : memref<4x128xi32, #tpu.memory_space<vmem>> -> memref<1x128xi32, #tpu.memory_space<vmem>>
    %dma_start3A_131 = tpu.memref_squeeze %dma_start3A_130 : memref<1x128xi32, #tpu.memory_space<vmem>> -> memref<128xi32, #tpu.memory_space<vmem>>
    %dma_start3A_132 = arith.constant 0 : i32
    %dma_start3A_133 = arith.constant 0 : i32
    %dma_start3A_134 = tpu.memref_slice %arg6[%dma_start3A_132, %dma_start3A_133] : memref<1000x128xf32, #tpu.memory_space<hbm>> -> memref<1000x128xf32, #tpu.memory_space<hbm>>
    tpu.enqueue_indirect_dma source(%dma_start3A_134 : memref<1000x128xf32, #tpu.memory_space<hbm>>) target(%arg16 : memref<128x128xf32, #tpu.memory_space<vmem>>) offsets(%dma_start3A_131 : memref<128xi32, #tpu.memory_space<vmem>>) semaphore(%arg22 : memref<!tpu.dma_semaphore, #tpu.memory_space<semaphore_mem>>)
    %dma_wait3A_135 = arith.constant 3 : i32
    %dma_wait3A_136 = arith.constant 0 : i32
    %dma_wait3A_137 = tpu.memref_slice %arg10[%dma_wait3A_135, %dma_wait3A_136] : memref<4x128xi32, #tpu.memory_space<vmem>> -> memref<1x128xi32, #tpu.memory_space<vmem>>
    %dma_wait3A_138 = tpu.memref_squeeze %dma_wait3A_137 : memref<1x128xi32, #tpu.memory_space<vmem>> -> memref<128xi32, #tpu.memory_space<vmem>>
    %dma_wait3A_139 = arith.constant 0 : i32
    %dma_wait3A_140 = arith.constant 0 : i32
    %dma_wait3A_141 = tpu.memref_slice %arg5[%dma_wait3A_139, %dma_wait3A_140] : memref<100000x128xf32, #tpu.memory_space<hbm>> -> memref<100000x128xf32, #tpu.memory_space<hbm>>
    tpu.wait_indirect_dma semaphore(%arg25 : memref<!tpu.dma_semaphore, #tpu.memory_space<semaphore_mem>>) src(%dma_wait3A_141 : memref<100000x128xf32, #tpu.memory_space<hbm>>) dst(%arg19 : memref<128x128xf32, #tpu.memory_space<vmem>>)
    %add3A_142 = arith.constant 384 : i32
    %add3A_143 = arith.addi %mul3A_25, %add3A_142 : i32
    %dma_start3A_144 = arith.constant 0 : i32
    %dma_start3A_145 = tpu.memref_slice %arg7[%add3A_143, %dma_start3A_144] : memref<16384x128xf32, #tpu.memory_space<hbm>> -> memref<128x128xf32, #tpu.memory_space<hbm>>
    %dma_start3A_146 = arith.constant 0 : i32
    %dma_start3A_147 = tpu.memref_slice %arg7[%add3A_143, %dma_start3A_146] : memref<16384x128xf32, #tpu.memory_space<hbm>> -> memref<128x128xf32, #tpu.memory_space<hbm>>
    tpu.enqueue_dma source(%arg19 : memref<128x128xf32, #tpu.memory_space<vmem>>) target(%dma_start3A_147 : memref<128x128xf32, #tpu.memory_space<hbm>>) target_semaphore(%arg31 : memref<!tpu.dma_semaphore, #tpu.memory_space<semaphore_mem>>)
    %add3A_148 = arith.constant 128 : i32
    %add3A_149 = arith.addi %mul3A_25, %add3A_148 : i32
    %dma_wait3A_150 = arith.constant 0 : i32
    %dma_wait3A_151 = tpu.memref_slice %arg7[%add3A_149, %dma_wait3A_150] : memref<16384x128xf32, #tpu.memory_space<hbm>> -> memref<128x128xf32, #tpu.memory_space<hbm>>
    %dma_wait3A_152 = arith.constant 0 : i32
    %dma_wait3A_153 = tpu.memref_slice %arg7[%add3A_149, %dma_wait3A_152] : memref<16384x128xf32, #tpu.memory_space<hbm>> -> memref<128x128xf32, #tpu.memory_space<hbm>>
    tpu.wait_dma2 semaphore(%arg29 : memref<!tpu.dma_semaphore, #tpu.memory_space<semaphore_mem>>) src(%arg17 : memref<128x128xf32, #tpu.memory_space<vmem>>) dst(%dma_wait3A_153 : memref<128x128xf32, #tpu.memory_space<hbm>>)
    %dma_start3A_154 = arith.constant 3 : i32
    %dma_start3A_155 = arith.constant 0 : i32
    %dma_start3A_156 = tpu.memref_slice %arg11[%dma_start3A_154, %dma_start3A_155] : memref<4x128xi32, #tpu.memory_space<vmem>> -> memref<1x128xi32, #tpu.memory_space<vmem>>
    %dma_start3A_157 = tpu.memref_squeeze %dma_start3A_156 : memref<1x128xi32, #tpu.memory_space<vmem>> -> memref<128xi32, #tpu.memory_space<vmem>>
    %dma_start3A_158 = arith.constant 0 : i32
    %dma_start3A_159 = arith.constant 0 : i32
    %dma_start3A_160 = tpu.memref_slice %arg6[%dma_start3A_158, %dma_start3A_159] : memref<1000x128xf32, #tpu.memory_space<hbm>> -> memref<1000x128xf32, #tpu.memory_space<hbm>>
    tpu.enqueue_indirect_dma source(%dma_start3A_160 : memref<1000x128xf32, #tpu.memory_space<hbm>>) target(%arg17 : memref<128x128xf32, #tpu.memory_space<vmem>>) offsets(%dma_start3A_157 : memref<128xi32, #tpu.memory_space<vmem>>) semaphore(%arg23 : memref<!tpu.dma_semaphore, #tpu.memory_space<semaphore_mem>>)
    %dma_wait3A_161 = arith.constant 0 : i32
    %dma_wait3A_162 = arith.constant 0 : i32
    %dma_wait3A_163 = tpu.memref_slice %arg11[%dma_wait3A_161, %dma_wait3A_162] : memref<4x128xi32, #tpu.memory_space<vmem>> -> memref<1x128xi32, #tpu.memory_space<vmem>>
    %dma_wait3A_164 = tpu.memref_squeeze %dma_wait3A_163 : memref<1x128xi32, #tpu.memory_space<vmem>> -> memref<128xi32, #tpu.memory_space<vmem>>
    %dma_wait3A_165 = arith.constant 0 : i32
    %dma_wait3A_166 = arith.constant 0 : i32
    %dma_wait3A_167 = tpu.memref_slice %arg6[%dma_wait3A_165, %dma_wait3A_166] : memref<1000x128xf32, #tpu.memory_space<hbm>> -> memref<1000x128xf32, #tpu.memory_space<hbm>>
    tpu.wait_indirect_dma semaphore(%arg26 : memref<!tpu.dma_semaphore, #tpu.memory_space<semaphore_mem>>) src(%dma_wait3A_167 : memref<1000x128xf32, #tpu.memory_space<hbm>>) dst(%arg20 : memref<128x128xf32, #tpu.memory_space<vmem>>)
    %add3A_168 = arith.constant 0 : i32
    %add3A_169 = arith.addi %mul3A_25, %add3A_168 : i32
    %dma_start3A_170 = arith.constant 0 : i32
    %dma_start3A_171 = tpu.memref_slice %arg8[%add3A_169, %dma_start3A_170] : memref<16384x128xf32, #tpu.memory_space<hbm>> -> memref<128x128xf32, #tpu.memory_space<hbm>>
    %dma_start3A_172 = arith.constant 0 : i32
    %dma_start3A_173 = tpu.memref_slice %arg8[%add3A_169, %dma_start3A_172] : memref<16384x128xf32, #tpu.memory_space<hbm>> -> memref<128x128xf32, #tpu.memory_space<hbm>>
    tpu.enqueue_dma source(%arg20 : memref<128x128xf32, #tpu.memory_space<vmem>>) target(%dma_start3A_173 : memref<128x128xf32, #tpu.memory_space<hbm>>) target_semaphore(%arg32 : memref<!tpu.dma_semaphore, #tpu.memory_space<semaphore_mem>>)
    %add3A_174 = arith.constant 256 : i32
    %add3A_175 = arith.addi %mul3A_25, %add3A_174 : i32
    %dma_wait3A_176 = arith.constant 0 : i32
    %dma_wait3A_177 = tpu.memref_slice %arg7[%add3A_175, %dma_wait3A_176] : memref<16384x128xf32, #tpu.memory_space<hbm>> -> memref<128x128xf32, #tpu.memory_space<hbm>>
    %dma_wait3A_178 = arith.constant 0 : i32
    %dma_wait3A_179 = tpu.memref_slice %arg7[%add3A_175, %dma_wait3A_178] : memref<16384x128xf32, #tpu.memory_space<hbm>> -> memref<128x128xf32, #tpu.memory_space<hbm>>
    tpu.wait_dma2 semaphore(%arg30 : memref<!tpu.dma_semaphore, #tpu.memory_space<semaphore_mem>>) src(%arg18 : memref<128x128xf32, #tpu.memory_space<vmem>>) dst(%dma_wait3A_179 : memref<128x128xf32, #tpu.memory_space<hbm>>)
    %dma_wait3A_180 = arith.constant 0 : i32
    %dma_wait3A_181 = arith.constant 0 : i32
    %dma_wait3A_182 = tpu.memref_slice %arg4[%add3A, %dma_wait3A_180, %dma_wait3A_181] : memref<32x4x128xi32, #tpu.memory_space<hbm>> -> memref<1x4x128xi32, #tpu.memory_space<hbm>>
    %dma_wait3A_183 = tpu.memref_squeeze %dma_wait3A_182 : memref<1x4x128xi32, #tpu.memory_space<hbm>> -> memref<4x128xi32, #tpu.memory_space<hbm>>
    %dma_wait3A_184 = arith.constant 0 : i32
    %dma_wait3A_185 = arith.constant 0 : i32
    %dma_wait3A_186 = tpu.memref_slice %arg4[%add3A, %dma_wait3A_184, %dma_wait3A_185] : memref<32x4x128xi32, #tpu.memory_space<hbm>> -> memref<1x4x128xi32, #tpu.memory_space<hbm>>
    %dma_wait3A_187 = tpu.memref_squeeze %dma_wait3A_186 : memref<1x4x128xi32, #tpu.memory_space<hbm>> -> memref<4x128xi32, #tpu.memory_space<hbm>>
    tpu.wait_dma2 semaphore(%arg15 : memref<!tpu.dma_semaphore, #tpu.memory_space<semaphore_mem>>) src(%dma_wait3A_187 : memref<4x128xi32, #tpu.memory_space<hbm>>) dst(%arg12 : memref<4x128xi32, #tpu.memory_space<vmem>>)
    %dma_start3A_188 = arith.constant 0 : i32
    %dma_start3A_189 = arith.constant 0 : i32
    %dma_start3A_190 = tpu.memref_slice %arg12[%dma_start3A_188, %dma_start3A_189] : memref<4x128xi32, #tpu.memory_space<vmem>> -> memref<1x128xi32, #tpu.memory_space<vmem>>
    %dma_start3A_191 = tpu.memref_squeeze %dma_start3A_190 : memref<1x128xi32, #tpu.memory_space<vmem>> -> memref<128xi32, #tpu.memory_space<vmem>>
    %dma_start3A_192 = arith.constant 0 : i32
    %dma_start3A_193 = arith.constant 0 : i32
    %dma_start3A_194 = tpu.memref_slice %arg5[%dma_start3A_192, %dma_start3A_193] : memref<100000x128xf32, #tpu.memory_space<hbm>> -> memref<100000x128xf32, #tpu.memory_space<hbm>>
    tpu.enqueue_indirect_dma source(%dma_start3A_194 : memref<100000x128xf32, #tpu.memory_space<hbm>>) target(%arg18 : memref<128x128xf32, #tpu.memory_space<vmem>>) offsets(%dma_start3A_191 : memref<128xi32, #tpu.memory_space<vmem>>) semaphore(%arg24 : memref<!tpu.dma_semaphore, #tpu.memory_space<semaphore_mem>>)
    %dma_wait3A_195 = arith.constant 1 : i32
    %dma_wait3A_196 = arith.constant 0 : i32
    %dma_wait3A_197 = tpu.memref_slice %arg11[%dma_wait3A_195, %dma_wait3A_196] : memref<4x128xi32, #tpu.memory_space<vmem>> -> memref<1x128xi32, #tpu.memory_space<vmem>>
    %dma_wait3A_198 = tpu.memref_squeeze %dma_wait3A_197 : memref<1x128xi32, #tpu.memory_space<vmem>> -> memref<128xi32, #tpu.memory_space<vmem>>
    %dma_wait3A_199 = arith.constant 0 : i32
    %dma_wait3A_200 = arith.constant 0 : i32
    %dma_wait3A_201 = tpu.memref_slice %arg6[%dma_wait3A_199, %dma_wait3A_200] : memref<1000x128xf32, #tpu.memory_space<hbm>> -> memref<1000x128xf32, #tpu.memory_space<hbm>>
    tpu.wait_indirect_dma semaphore(%arg27 : memref<!tpu.dma_semaphore, #tpu.memory_space<semaphore_mem>>) src(%dma_wait3A_201 : memref<1000x128xf32, #tpu.memory_space<hbm>>) dst(%arg21 : memref<128x128xf32, #tpu.memory_space<vmem>>)
    %add3A_202 = arith.constant 128 : i32
    %add3A_203 = arith.addi %mul3A_25, %add3A_202 : i32
    %dma_start3A_204 = arith.constant 0 : i32
    %dma_start3A_205 = tpu.memref_slice %arg8[%add3A_203, %dma_start3A_204] : memref<16384x128xf32, #tpu.memory_space<hbm>> -> memref<128x128xf32, #tpu.memory_space<hbm>>
    %dma_start3A_206 = arith.constant 0 : i32
    %dma_start3A_207 = tpu.memref_slice %arg8[%add3A_203, %dma_start3A_206] : memref<16384x128xf32, #tpu.memory_space<hbm>> -> memref<128x128xf32, #tpu.memory_space<hbm>>
    tpu.enqueue_dma source(%arg21 : memref<128x128xf32, #tpu.memory_space<vmem>>) target(%dma_start3A_207 : memref<128x128xf32, #tpu.memory_space<hbm>>) target_semaphore(%arg33 : memref<!tpu.dma_semaphore, #tpu.memory_space<semaphore_mem>>)
    %add3A_208 = arith.constant 384 : i32
    %add3A_209 = arith.addi %mul3A_25, %add3A_208 : i32
    %dma_wait3A_210 = arith.constant 0 : i32
    %dma_wait3A_211 = tpu.memref_slice %arg7[%add3A_209, %dma_wait3A_210] : memref<16384x128xf32, #tpu.memory_space<hbm>> -> memref<128x128xf32, #tpu.memory_space<hbm>>
    %dma_wait3A_212 = arith.constant 0 : i32
    %dma_wait3A_213 = tpu.memref_slice %arg7[%add3A_209, %dma_wait3A_212] : memref<16384x128xf32, #tpu.memory_space<hbm>> -> memref<128x128xf32, #tpu.memory_space<hbm>>
    tpu.wait_dma2 semaphore(%arg31 : memref<!tpu.dma_semaphore, #tpu.memory_space<semaphore_mem>>) src(%arg19 : memref<128x128xf32, #tpu.memory_space<vmem>>) dst(%dma_wait3A_213 : memref<128x128xf32, #tpu.memory_space<hbm>>)
    %dma_start3A_214 = arith.constant 1 : i32
    %dma_start3A_215 = arith.constant 0 : i32
    %dma_start3A_216 = tpu.memref_slice %arg12[%dma_start3A_214, %dma_start3A_215] : memref<4x128xi32, #tpu.memory_space<vmem>> -> memref<1x128xi32, #tpu.memory_space<vmem>>
    %dma_start3A_217 = tpu.memref_squeeze %dma_start3A_216 : memref<1x128xi32, #tpu.memory_space<vmem>> -> memref<128xi32, #tpu.memory_space<vmem>>
    %dma_start3A_218 = arith.constant 0 : i32
    %dma_start3A_219 = arith.constant 0 : i32
    %dma_start3A_220 = tpu.memref_slice %arg5[%dma_start3A_218, %dma_start3A_219] : memref<100000x128xf32, #tpu.memory_space<hbm>> -> memref<100000x128xf32, #tpu.memory_space<hbm>>
    tpu.enqueue_indirect_dma source(%dma_start3A_220 : memref<100000x128xf32, #tpu.memory_space<hbm>>) target(%arg19 : memref<128x128xf32, #tpu.memory_space<vmem>>) offsets(%dma_start3A_217 : memref<128xi32, #tpu.memory_space<vmem>>) semaphore(%arg25 : memref<!tpu.dma_semaphore, #tpu.memory_space<semaphore_mem>>)
    %dma_wait3A_221 = arith.constant 2 : i32
    %dma_wait3A_222 = arith.constant 0 : i32
    %dma_wait3A_223 = tpu.memref_slice %arg11[%dma_wait3A_221, %dma_wait3A_222] : memref<4x128xi32, #tpu.memory_space<vmem>> -> memref<1x128xi32, #tpu.memory_space<vmem>>
    %dma_wait3A_224 = tpu.memref_squeeze %dma_wait3A_223 : memref<1x128xi32, #tpu.memory_space<vmem>> -> memref<128xi32, #tpu.memory_space<vmem>>
    %dma_wait3A_225 = arith.constant 0 : i32
    %dma_wait3A_226 = arith.constant 0 : i32
    %dma_wait3A_227 = tpu.memref_slice %arg6[%dma_wait3A_225, %dma_wait3A_226] : memref<1000x128xf32, #tpu.memory_space<hbm>> -> memref<1000x128xf32, #tpu.memory_space<hbm>>
    tpu.wait_indirect_dma semaphore(%arg22 : memref<!tpu.dma_semaphore, #tpu.memory_space<semaphore_mem>>) src(%dma_wait3A_227 : memref<1000x128xf32, #tpu.memory_space<hbm>>) dst(%arg16 : memref<128x128xf32, #tpu.memory_space<vmem>>)
    %add3A_228 = arith.constant 256 : i32
    %add3A_229 = arith.addi %mul3A_25, %add3A_228 : i32
    %dma_start3A_230 = arith.constant 0 : i32
    %dma_start3A_231 = tpu.memref_slice %arg8[%add3A_229, %dma_start3A_230] : memref<16384x128xf32, #tpu.memory_space<hbm>> -> memref<128x128xf32, #tpu.memory_space<hbm>>
    %dma_start3A_232 = arith.constant 0 : i32
    %dma_start3A_233 = tpu.memref_slice %arg8[%add3A_229, %dma_start3A_232] : memref<16384x128xf32, #tpu.memory_space<hbm>> -> memref<128x128xf32, #tpu.memory_space<hbm>>
    tpu.enqueue_dma source(%arg16 : memref<128x128xf32, #tpu.memory_space<vmem>>) target(%dma_start3A_233 : memref<128x128xf32, #tpu.memory_space<hbm>>) target_semaphore(%arg28 : memref<!tpu.dma_semaphore, #tpu.memory_space<semaphore_mem>>)
    %add3A_234 = arith.constant 0 : i32
    %add3A_235 = arith.addi %mul3A_25, %add3A_234 : i32
    %dma_wait3A_236 = arith.constant 0 : i32
    %dma_wait3A_237 = tpu.memref_slice %arg8[%add3A_235, %dma_wait3A_236] : memref<16384x128xf32, #tpu.memory_space<hbm>> -> memref<128x128xf32, #tpu.memory_space<hbm>>
    %dma_wait3A_238 = arith.constant 0 : i32
    %dma_wait3A_239 = tpu.memref_slice %arg8[%add3A_235, %dma_wait3A_238] : memref<16384x128xf32, #tpu.memory_space<hbm>> -> memref<128x128xf32, #tpu.memory_space<hbm>>
    tpu.wait_dma2 semaphore(%arg32 : memref<!tpu.dma_semaphore, #tpu.memory_space<semaphore_mem>>) src(%arg20 : memref<128x128xf32, #tpu.memory_space<vmem>>) dst(%dma_wait3A_239 : memref<128x128xf32, #tpu.memory_space<hbm>>)
    %dma_start3A_240 = arith.constant 2 : i32
    %dma_start3A_241 = arith.constant 0 : i32
    %dma_start3A_242 = tpu.memref_slice %arg12[%dma_start3A_240, %dma_start3A_241] : memref<4x128xi32, #tpu.memory_space<vmem>> -> memref<1x128xi32, #tpu.memory_space<vmem>>
    %dma_start3A_243 = tpu.memref_squeeze %dma_start3A_242 : memref<1x128xi32, #tpu.memory_space<vmem>> -> memref<128xi32, #tpu.memory_space<vmem>>
    %dma_start3A_244 = arith.constant 0 : i32
    %dma_start3A_245 = arith.constant 0 : i32
    %dma_start3A_246 = tpu.memref_slice %arg5[%dma_start3A_244, %dma_start3A_245] : memref<100000x128xf32, #tpu.memory_space<hbm>> -> memref<100000x128xf32, #tpu.memory_space<hbm>>
    tpu.enqueue_indirect_dma source(%dma_start3A_246 : memref<100000x128xf32, #tpu.memory_space<hbm>>) target(%arg20 : memref<128x128xf32, #tpu.memory_space<vmem>>) offsets(%dma_start3A_243 : memref<128xi32, #tpu.memory_space<vmem>>) semaphore(%arg26 : memref<!tpu.dma_semaphore, #tpu.memory_space<semaphore_mem>>)
    %dma_wait3A_247 = arith.constant 3 : i32
    %dma_wait3A_248 = arith.constant 0 : i32
    %dma_wait3A_249 = tpu.memref_slice %arg11[%dma_wait3A_247, %dma_wait3A_248] : memref<4x128xi32, #tpu.memory_space<vmem>> -> memref<1x128xi32, #tpu.memory_space<vmem>>
    %dma_wait3A_250 = tpu.memref_squeeze %dma_wait3A_249 : memref<1x128xi32, #tpu.memory_space<vmem>> -> memref<128xi32, #tpu.memory_space<vmem>>
    %dma_wait3A_251 = arith.constant 0 : i32
    %dma_wait3A_252 = arith.constant 0 : i32
    %dma_wait3A_253 = tpu.memref_slice %arg6[%dma_wait3A_251, %dma_wait3A_252] : memref<1000x128xf32, #tpu.memory_space<hbm>> -> memref<1000x128xf32, #tpu.memory_space<hbm>>
    tpu.wait_indirect_dma semaphore(%arg23 : memref<!tpu.dma_semaphore, #tpu.memory_space<semaphore_mem>>) src(%dma_wait3A_253 : memref<1000x128xf32, #tpu.memory_space<hbm>>) dst(%arg17 : memref<128x128xf32, #tpu.memory_space<vmem>>)
    %add3A_254 = arith.constant 384 : i32
    %add3A_255 = arith.addi %mul3A_25, %add3A_254 : i32
    %dma_start3A_256 = arith.constant 0 : i32
    %dma_start3A_257 = tpu.memref_slice %arg8[%add3A_255, %dma_start3A_256] : memref<16384x128xf32, #tpu.memory_space<hbm>> -> memref<128x128xf32, #tpu.memory_space<hbm>>
    %dma_start3A_258 = arith.constant 0 : i32
    %dma_start3A_259 = tpu.memref_slice %arg8[%add3A_255, %dma_start3A_258] : memref<16384x128xf32, #tpu.memory_space<hbm>> -> memref<128x128xf32, #tpu.memory_space<hbm>>
    tpu.enqueue_dma source(%arg17 : memref<128x128xf32, #tpu.memory_space<vmem>>) target(%dma_start3A_259 : memref<128x128xf32, #tpu.memory_space<hbm>>) target_semaphore(%arg29 : memref<!tpu.dma_semaphore, #tpu.memory_space<semaphore_mem>>)
    %add3A_260 = arith.constant 128 : i32
    %add3A_261 = arith.addi %mul3A_25, %add3A_260 : i32
    %dma_wait3A_262 = arith.constant 0 : i32
    %dma_wait3A_263 = tpu.memref_slice %arg8[%add3A_261, %dma_wait3A_262] : memref<16384x128xf32, #tpu.memory_space<hbm>> -> memref<128x128xf32, #tpu.memory_space<hbm>>
    %dma_wait3A_264 = arith.constant 0 : i32
    %dma_wait3A_265 = tpu.memref_slice %arg8[%add3A_261, %dma_wait3A_264] : memref<16384x128xf32, #tpu.memory_space<hbm>> -> memref<128x128xf32, #tpu.memory_space<hbm>>
    tpu.wait_dma2 semaphore(%arg33 : memref<!tpu.dma_semaphore, #tpu.memory_space<semaphore_mem>>) src(%arg21 : memref<128x128xf32, #tpu.memory_space<vmem>>) dst(%dma_wait3A_265 : memref<128x128xf32, #tpu.memory_space<hbm>>)
    %dma_start3A_266 = arith.constant 3 : i32
    %dma_start3A_267 = arith.constant 0 : i32
    %dma_start3A_268 = tpu.memref_slice %arg12[%dma_start3A_266, %dma_start3A_267] : memref<4x128xi32, #tpu.memory_space<vmem>> -> memref<1x128xi32, #tpu.memory_space<vmem>>
    %dma_start3A_269 = tpu.memref_squeeze %dma_start3A_268 : memref<1x128xi32, #tpu.memory_space<vmem>> -> memref<128xi32, #tpu.memory_space<vmem>>
    %dma_start3A_270 = arith.constant 0 : i32
    %dma_start3A_271 = arith.constant 0 : i32
    %dma_start3A_272 = tpu.memref_slice %arg5[%dma_start3A_270, %dma_start3A_271] : memref<100000x128xf32, #tpu.memory_space<hbm>> -> memref<100000x128xf32, #tpu.memory_space<hbm>>
    tpu.enqueue_indirect_dma source(%dma_start3A_272 : memref<100000x128xf32, #tpu.memory_space<hbm>>) target(%arg21 : memref<128x128xf32, #tpu.memory_space<vmem>>) offsets(%dma_start3A_269 : memref<128xi32, #tpu.memory_space<vmem>>) semaphore(%arg27 : memref<!tpu.dma_semaphore, #tpu.memory_space<semaphore_mem>>)
    %dma_wait3A_273 = arith.constant 0 : i32
    %dma_wait3A_274 = arith.constant 0 : i32
    %dma_wait3A_275 = tpu.memref_slice %arg12[%dma_wait3A_273, %dma_wait3A_274] : memref<4x128xi32, #tpu.memory_space<vmem>> -> memref<1x128xi32, #tpu.memory_space<vmem>>
    %dma_wait3A_276 = tpu.memref_squeeze %dma_wait3A_275 : memref<1x128xi32, #tpu.memory_space<vmem>> -> memref<128xi32, #tpu.memory_space<vmem>>
    %dma_wait3A_277 = arith.constant 0 : i32
    %dma_wait3A_278 = arith.constant 0 : i32
    %dma_wait3A_279 = tpu.memref_slice %arg5[%dma_wait3A_277, %dma_wait3A_278] : memref<100000x128xf32, #tpu.memory_space<hbm>> -> memref<100000x128xf32, #tpu.memory_space<hbm>>
    tpu.wait_indirect_dma semaphore(%arg24 : memref<!tpu.dma_semaphore, #tpu.memory_space<semaphore_mem>>) src(%dma_wait3A_279 : memref<100000x128xf32, #tpu.memory_space<hbm>>) dst(%arg18 : memref<128x128xf32, #tpu.memory_space<vmem>>)
    %add3A_280 = arith.constant 0 : i32
    %add3A_281 = arith.addi %mul3A_25, %add3A_280 : i32
    %dma_start3A_282 = arith.constant 0 : i32
    %dma_start3A_283 = tpu.memref_slice %arg9[%add3A_281, %dma_start3A_282] : memref<16384x128xf32, #tpu.memory_space<hbm>> -> memref<128x128xf32, #tpu.memory_space<hbm>>
    %dma_start3A_284 = arith.constant 0 : i32
    %dma_start3A_285 = tpu.memref_slice %arg9[%add3A_281, %dma_start3A_284] : memref<16384x128xf32, #tpu.memory_space<hbm>> -> memref<128x128xf32, #tpu.memory_space<hbm>>
    tpu.enqueue_dma source(%arg18 : memref<128x128xf32, #tpu.memory_space<vmem>>) target(%dma_start3A_285 : memref<128x128xf32, #tpu.memory_space<hbm>>) target_semaphore(%arg30 : memref<!tpu.dma_semaphore, #tpu.memory_space<semaphore_mem>>)
    %dma_wait3A_286 = arith.constant 1 : i32
    %dma_wait3A_287 = arith.constant 0 : i32
    %dma_wait3A_288 = tpu.memref_slice %arg12[%dma_wait3A_286, %dma_wait3A_287] : memref<4x128xi32, #tpu.memory_space<vmem>> -> memref<1x128xi32, #tpu.memory_space<vmem>>
    %dma_wait3A_289 = tpu.memref_squeeze %dma_wait3A_288 : memref<1x128xi32, #tpu.memory_space<vmem>> -> memref<128xi32, #tpu.memory_space<vmem>>
    %dma_wait3A_290 = arith.constant 0 : i32
    %dma_wait3A_291 = arith.constant 0 : i32
    %dma_wait3A_292 = tpu.memref_slice %arg5[%dma_wait3A_290, %dma_wait3A_291] : memref<100000x128xf32, #tpu.memory_space<hbm>> -> memref<100000x128xf32, #tpu.memory_space<hbm>>
    tpu.wait_indirect_dma semaphore(%arg25 : memref<!tpu.dma_semaphore, #tpu.memory_space<semaphore_mem>>) src(%dma_wait3A_292 : memref<100000x128xf32, #tpu.memory_space<hbm>>) dst(%arg19 : memref<128x128xf32, #tpu.memory_space<vmem>>)
    %add3A_293 = arith.constant 128 : i32
    %add3A_294 = arith.addi %mul3A_25, %add3A_293 : i32
    %dma_start3A_295 = arith.constant 0 : i32
    %dma_start3A_296 = tpu.memref_slice %arg9[%add3A_294, %dma_start3A_295] : memref<16384x128xf32, #tpu.memory_space<hbm>> -> memref<128x128xf32, #tpu.memory_space<hbm>>
    %dma_start3A_297 = arith.constant 0 : i32
    %dma_start3A_298 = tpu.memref_slice %arg9[%add3A_294, %dma_start3A_297] : memref<16384x128xf32, #tpu.memory_space<hbm>> -> memref<128x128xf32, #tpu.memory_space<hbm>>
    tpu.enqueue_dma source(%arg19 : memref<128x128xf32, #tpu.memory_space<vmem>>) target(%dma_start3A_298 : memref<128x128xf32, #tpu.memory_space<hbm>>) target_semaphore(%arg31 : memref<!tpu.dma_semaphore, #tpu.memory_space<semaphore_mem>>)
    %dma_wait3A_299 = arith.constant 2 : i32
    %dma_wait3A_300 = arith.constant 0 : i32
    %dma_wait3A_301 = tpu.memref_slice %arg12[%dma_wait3A_299, %dma_wait3A_300] : memref<4x128xi32, #tpu.memory_space<vmem>> -> memref<1x128xi32, #tpu.memory_space<vmem>>
    %dma_wait3A_302 = tpu.memref_squeeze %dma_wait3A_301 : memref<1x128xi32, #tpu.memory_space<vmem>> -> memref<128xi32, #tpu.memory_space<vmem>>
    %dma_wait3A_303 = arith.constant 0 : i32
    %dma_wait3A_304 = arith.constant 0 : i32
    %dma_wait3A_305 = tpu.memref_slice %arg5[%dma_wait3A_303, %dma_wait3A_304] : memref<100000x128xf32, #tpu.memory_space<hbm>> -> memref<100000x128xf32, #tpu.memory_space<hbm>>
    tpu.wait_indirect_dma semaphore(%arg26 : memref<!tpu.dma_semaphore, #tpu.memory_space<semaphore_mem>>) src(%dma_wait3A_305 : memref<100000x128xf32, #tpu.memory_space<hbm>>) dst(%arg20 : memref<128x128xf32, #tpu.memory_space<vmem>>)
    %add3A_306 = arith.constant 256 : i32
    %add3A_307 = arith.addi %mul3A_25, %add3A_306 : i32
    %dma_start3A_308 = arith.constant 0 : i32
    %dma_start3A_309 = tpu.memref_slice %arg9[%add3A_307, %dma_start3A_308] : memref<16384x128xf32, #tpu.memory_space<hbm>> -> memref<128x128xf32, #tpu.memory_space<hbm>>
    %dma_start3A_310 = arith.constant 0 : i32
    %dma_start3A_311 = tpu.memref_slice %arg9[%add3A_307, %dma_start3A_310] : memref<16384x128xf32, #tpu.memory_space<hbm>> -> memref<128x128xf32, #tpu.memory_space<hbm>>
    tpu.enqueue_dma source(%arg20 : memref<128x128xf32, #tpu.memory_space<vmem>>) target(%dma_start3A_311 : memref<128x128xf32, #tpu.memory_space<hbm>>) target_semaphore(%arg32 : memref<!tpu.dma_semaphore, #tpu.memory_space<semaphore_mem>>)
    %dma_wait3A_312 = arith.constant 3 : i32
    %dma_wait3A_313 = arith.constant 0 : i32
    %dma_wait3A_314 = tpu.memref_slice %arg12[%dma_wait3A_312, %dma_wait3A_313] : memref<4x128xi32, #tpu.memory_space<vmem>> -> memref<1x128xi32, #tpu.memory_space<vmem>>
    %dma_wait3A_315 = tpu.memref_squeeze %dma_wait3A_314 : memref<1x128xi32, #tpu.memory_space<vmem>> -> memref<128xi32, #tpu.memory_space<vmem>>
    %dma_wait3A_316 = arith.constant 0 : i32
    %dma_wait3A_317 = arith.constant 0 : i32
    %dma_wait3A_318 = tpu.memref_slice %arg5[%dma_wait3A_316, %dma_wait3A_317] : memref<100000x128xf32, #tpu.memory_space<hbm>> -> memref<100000x128xf32, #tpu.memory_space<hbm>>
    tpu.wait_indirect_dma semaphore(%arg27 : memref<!tpu.dma_semaphore, #tpu.memory_space<semaphore_mem>>) src(%dma_wait3A_318 : memref<100000x128xf32, #tpu.memory_space<hbm>>) dst(%arg21 : memref<128x128xf32, #tpu.memory_space<vmem>>)
    %add3A_319 = arith.constant 384 : i32
    %add3A_320 = arith.addi %mul3A_25, %add3A_319 : i32
    %dma_start3A_321 = arith.constant 0 : i32
    %dma_start3A_322 = tpu.memref_slice %arg9[%add3A_320, %dma_start3A_321] : memref<16384x128xf32, #tpu.memory_space<hbm>> -> memref<128x128xf32, #tpu.memory_space<hbm>>
    %dma_start3A_323 = arith.constant 0 : i32
    %dma_start3A_324 = tpu.memref_slice %arg9[%add3A_320, %dma_start3A_323] : memref<16384x128xf32, #tpu.memory_space<hbm>> -> memref<128x128xf32, #tpu.memory_space<hbm>>
    tpu.enqueue_dma source(%arg21 : memref<128x128xf32, #tpu.memory_space<vmem>>) target(%dma_start3A_324 : memref<128x128xf32, #tpu.memory_space<hbm>>) target_semaphore(%arg33 : memref<!tpu.dma_semaphore, #tpu.memory_space<semaphore_mem>>)
    %add3A_325 = arith.constant 256 : i32
    %add3A_326 = arith.addi %mul3A_25, %add3A_325 : i32
    %dma_wait3A_327 = arith.constant 0 : i32
    %dma_wait3A_328 = tpu.memref_slice %arg8[%add3A_326, %dma_wait3A_327] : memref<16384x128xf32, #tpu.memory_space<hbm>> -> memref<128x128xf32, #tpu.memory_space<hbm>>
    %dma_wait3A_329 = arith.constant 0 : i32
    %dma_wait3A_330 = tpu.memref_slice %arg8[%add3A_326, %dma_wait3A_329] : memref<16384x128xf32, #tpu.memory_space<hbm>> -> memref<128x128xf32, #tpu.memory_space<hbm>>
    tpu.wait_dma2 semaphore(%arg28 : memref<!tpu.dma_semaphore, #tpu.memory_space<semaphore_mem>>) src(%arg16 : memref<128x128xf32, #tpu.memory_space<vmem>>) dst(%dma_wait3A_330 : memref<128x128xf32, #tpu.memory_space<hbm>>)
    %add3A_331 = arith.constant 384 : i32
    %add3A_332 = arith.addi %mul3A_25, %add3A_331 : i32
    %dma_wait3A_333 = arith.constant 0 : i32
    %dma_wait3A_334 = tpu.memref_slice %arg8[%add3A_332, %dma_wait3A_333] : memref<16384x128xf32, #tpu.memory_space<hbm>> -> memref<128x128xf32, #tpu.memory_space<hbm>>
    %dma_wait3A_335 = arith.constant 0 : i32
    %dma_wait3A_336 = tpu.memref_slice %arg8[%add3A_332, %dma_wait3A_335] : memref<16384x128xf32, #tpu.memory_space<hbm>> -> memref<128x128xf32, #tpu.memory_space<hbm>>
    tpu.wait_dma2 semaphore(%arg29 : memref<!tpu.dma_semaphore, #tpu.memory_space<semaphore_mem>>) src(%arg17 : memref<128x128xf32, #tpu.memory_space<vmem>>) dst(%dma_wait3A_336 : memref<128x128xf32, #tpu.memory_space<hbm>>)
    %add3A_337 = arith.constant 0 : i32
    %add3A_338 = arith.addi %mul3A_25, %add3A_337 : i32
    %dma_wait3A_339 = arith.constant 0 : i32
    %dma_wait3A_340 = tpu.memref_slice %arg9[%add3A_338, %dma_wait3A_339] : memref<16384x128xf32, #tpu.memory_space<hbm>> -> memref<128x128xf32, #tpu.memory_space<hbm>>
    %dma_wait3A_341 = arith.constant 0 : i32
    %dma_wait3A_342 = tpu.memref_slice %arg9[%add3A_338, %dma_wait3A_341] : memref<16384x128xf32, #tpu.memory_space<hbm>> -> memref<128x128xf32, #tpu.memory_space<hbm>>
    tpu.wait_dma2 semaphore(%arg30 : memref<!tpu.dma_semaphore, #tpu.memory_space<semaphore_mem>>) src(%arg18 : memref<128x128xf32, #tpu.memory_space<vmem>>) dst(%dma_wait3A_342 : memref<128x128xf32, #tpu.memory_space<hbm>>)
    %add3A_343 = arith.constant 128 : i32
    %add3A_344 = arith.addi %mul3A_25, %add3A_343 : i32
    %dma_wait3A_345 = arith.constant 0 : i32
    %dma_wait3A_346 = tpu.memref_slice %arg9[%add3A_344, %dma_wait3A_345] : memref<16384x128xf32, #tpu.memory_space<hbm>> -> memref<128x128xf32, #tpu.memory_space<hbm>>
    %dma_wait3A_347 = arith.constant 0 : i32
    %dma_wait3A_348 = tpu.memref_slice %arg9[%add3A_344, %dma_wait3A_347] : memref<16384x128xf32, #tpu.memory_space<hbm>> -> memref<128x128xf32, #tpu.memory_space<hbm>>
    tpu.wait_dma2 semaphore(%arg31 : memref<!tpu.dma_semaphore, #tpu.memory_space<semaphore_mem>>) src(%arg19 : memref<128x128xf32, #tpu.memory_space<vmem>>) dst(%dma_wait3A_348 : memref<128x128xf32, #tpu.memory_space<hbm>>)
    %add3A_349 = arith.constant 256 : i32
    %add3A_350 = arith.addi %mul3A_25, %add3A_349 : i32
    %dma_wait3A_351 = arith.constant 0 : i32
    %dma_wait3A_352 = tpu.memref_slice %arg9[%add3A_350, %dma_wait3A_351] : memref<16384x128xf32, #tpu.memory_space<hbm>> -> memref<128x128xf32, #tpu.memory_space<hbm>>
    %dma_wait3A_353 = arith.constant 0 : i32
    %dma_wait3A_354 = tpu.memref_slice %arg9[%add3A_350, %dma_wait3A_353] : memref<16384x128xf32, #tpu.memory_space<hbm>> -> memref<128x128xf32, #tpu.memory_space<hbm>>
    tpu.wait_dma2 semaphore(%arg32 : memref<!tpu.dma_semaphore, #tpu.memory_space<semaphore_mem>>) src(%arg20 : memref<128x128xf32, #tpu.memory_space<vmem>>) dst(%dma_wait3A_354 : memref<128x128xf32, #tpu.memory_space<hbm>>)
    %add3A_355 = arith.constant 384 : i32
    %add3A_356 = arith.addi %mul3A_25, %add3A_355 : i32
    %dma_wait3A_357 = arith.constant 0 : i32
    %dma_wait3A_358 = tpu.memref_slice %arg9[%add3A_356, %dma_wait3A_357] : memref<16384x128xf32, #tpu.memory_space<hbm>> -> memref<128x128xf32, #tpu.memory_space<hbm>>
    %dma_wait3A_359 = arith.constant 0 : i32
    %dma_wait3A_360 = tpu.memref_slice %arg9[%add3A_356, %dma_wait3A_359] : memref<16384x128xf32, #tpu.memory_space<hbm>> -> memref<128x128xf32, #tpu.memory_space<hbm>>
    tpu.wait_dma2 semaphore(%arg33 : memref<!tpu.dma_semaphore, #tpu.memory_space<semaphore_mem>>) src(%arg21 : memref<128x128xf32, #tpu.memory_space<vmem>>) dst(%dma_wait3A_360 : memref<128x128xf32, #tpu.memory_space<hbm>>)
    return
  }
}

</mosaic_0001>

<sc_bundles>
// kernel: kernel.3.cloned.1.call-start
scs
__scs_entry_jumppad:
0x0: {  	(pc) =	sbr.rel $0x88, $3  }
0x1: {  	(tag) =	ssettag $0x0;
	lr =	simm.s32 $0x1  }
0x2: {  	[smem:$0x3F9C] =	sst lr;
	_ =	strace $0xD0000000  }
0x3: {  	_ = 	snop  }
0x4: {  	_ = 	snop  }
0x5: {  	_ = 	snop  }
0x6: {  	_ = 	snop  }
0x7: {  	_ = 	snop  }
__scs_overlays_trampoline_lowered:
0x8: {  	[smem:$0x3FAB] =	sst s0  }
0x9: {  	[smem:$0x3FAC] =	sst s1  }
0xa: {  	[smem:$0x3FAD] =	sst s2  }
0xb: {  	[smem:$0x3FAE] =	sst s3  }
0xc: {  	[smem:$0x3FAF] =	sst s4  }
0xd: {  	[smem:$0x3FB0] =	sst s5  }
0xe: {  	[smem:$0x3FB1] =	sst s6  }
0xf: {  	[smem:$0x3FB2] =	sst s7  }
0x10: {  	[smem:$0x3FB3] =	sst s8  }
0x11: {  	[smem:$0x3FB4] =	sst s9;
	s0 =	simm.s32 @!p0 $0x0  }
0x12: {  	s1 =	sld [smem:$0x3F9A];
	s0 =	simm.s32 @p0 $0x1  }
0x13: {  	[smem:$0x3FB5] =	sst s0;
	s0 =	simm.s32 @!p1 $0x0  }
0x14: {  	s2 =	sld [smem:$0x3F99];
	s0 =	simm.s32 @p1 $0x1  }
0x15: {  	[smem:$0x3FB6] =	sst s0;
	s0 =	simm.s32 @!p2 $0x0  }
0x16: {  	s3 =	sld [smem:$0x3FDB];
	s0 =	simm.s32 @p2 $0x1  }
0x17: {  	s4 =	simm.s32 $0x1BF5;
	[smem:$0x3FB8] =	sst s0  }
0x18: {  	s0 =	sld [smem:$0x3F9B];
	_ =	swait.ge [sflag:s4], $0x0  }
0x19: {  	s7 =	sld [smem:$0x3F9C]  }
0x1a: {  	s8 =	sadd.s32 $0xFFFFE003, lr  }
0x1b: {  	s9 =	sadd.s32 $0xFFFFFEF7, lr;
	s5 =	simm.s32 $0xFFFFFFFF;
	p2 =	slt.u32 s8, $0xFFFFF086  }
0x1c: {  	p1 =	slt.u32 s9, $0xF7A;
	s5 =	simm.s32 @!p2 $0x0  }
0x1d: {  	s5 =	simm.s32 @p1 $0x1;
	p0 =	seq.s32 s7, s2  }
0x1e: {  	s7 =	smul.u32 @!p0 $0xF7A, s2;
	p2 =	seq.s32 @!p0 s5, $0x0  }
0x1f: {  	s9 =	smul.u32 $0xF7A, s1;
	s8 =	simm.s32 @!p0 $0x1BF5;
	p2 =	por !p2, p0  }
0x20: {  	[sflag:s8] =	ssyncset.s32 @!p0 $0xFFFFF086;
	s6 =	sadd.s32 @!p0 s3, s7;
	s7 =	simm.s32 @!p0 $0x108  }
0x21: {  	s3 =	sadd.s32 s3, s9;
	s6 =	sadd.s32 @!p0 $0x88, s6;
	s7 =	simm.s32 @p2 $0x1082  }
0x22: {  	[simem:s7], [sflag:s8] =	dma.local @!p0 [hbm:s6], $0xF7A  }
0x23: {  	s9 =	sor.u32 $0xD0000000, s2;
	s6 =	simm.s32 $0x108;
	_ =	swait.ge @!p0 [sflag:s8], $0x0  }
0x24: {  	s3 =	sadd.s32 $0x88, s3;
	s6 =	simm.s32 @!p1 $0x1082;
	[sflag:s4] =	ssyncset.s32 $0xFFFFF086  }
0x25: {  	[simem:s6], [sflag:s4] =	dma.local [hbm:s3], $0xF7A  }
0x26: {  	[smem:$0x3F9C] =	sst s1;
	(tag) =	ssettag s2;
	_ =	strace s9  }
0x27: {  	s1 =	sld [smem:$0x3FAC]  }
0x28: {  	s2 =	sld [smem:$0x3FAD]  }
0x29: {  	s4 =	sld [smem:$0x3FAF]  }
0x2a: {  	p0 =	seq.s32 s5, $0x0;
	s5 =	sld [smem:$0x3FB0]  }
0x2b: {  	s6 =	sld [smem:$0x3FB1]  }
0x2c: {  	s7 =	sld [smem:$0x3FB2]  }
0x2d: {  	s3 =	simm.s32 $0x108;
	s8 =	sld [smem:$0x3FB3]  }
0x2e: {  	s3 =	simm.s32 @!p0 $0x1082;
	s9 =	sld [smem:$0x3FB4]  }
0x2f: {  	lr =	sadd.s32 s0, s3;
	s0 =	sld [smem:$0x3FAB]  }
0x30: {  	s3 =	sld [smem:$0x3FAE]  }
0x31: {  	[smem:$0x3FB7] =	sst s10  }
0x32: {  	s10 =	sld [smem:$0x3FB5];
	_ =	sdelay $0x3  }
0x33: {  	p0 =	seq.s32 s10, $0x1;
	s10 =	sld [smem:$0x3FB7];
	_ =	sdelay $0x3  }
0x34: {  	[smem:$0x3FB7] =	sst s10  }
0x35: {  	s10 =	sld [smem:$0x3FB6];
	_ =	sdelay $0x3  }
0x36: {  	p1 =	seq.s32 s10, $0x1;
	s10 =	sld [smem:$0x3FB7];
	_ =	sdelay $0x3  }
0x37: {  	[smem:$0x3FB7] =	sst s10  }
0x38: {  	s10 =	sld [smem:$0x3FB8]  }
0x39: {  	_ = 	snop;
	(pc) =	sbr.ind lr, $3  }
0x3a: {  	_ = 	snop  }
0x3b: {  	_ = 	snop  }
0x3c: {  	p2 =	seq.s32 s10, $0x1;
	s10 =	sld [smem:$0x3FB7]  }
0x3d: {  	_ =	shalt  }
0x3e: {  	_ =	shalt  }
0x3f: {  	_ =	shalt  }
0x40: {  	_ =	shalt  }
0x41: {  	_ =	shalt  }
0x42: {  	_ =	shalt  }
0x43: {  	_ =	shalt  }
0x44: {  	_ =	shalt  }
0x45: {  	_ =	shalt  }
0x46: {  	_ =	shalt  }
0x47: {  	_ =	shalt  }
0x48: {  	_ =	shalt  }
0x49: {  	_ =	shalt  }
0x4a: {  	_ =	shalt  }
0x4b: {  	_ =	shalt  }
0x4c: {  	_ =	shalt  }
0x4d: {  	_ =	shalt  }
0x4e: {  	_ =	shalt  }
0x4f: {  	_ =	shalt  }
0x50: {  	_ =	shalt  }
0x51: {  	_ =	shalt  }
0x52: {  	_ =	shalt  }
0x53: {  	_ =	shalt  }
0x54: {  	_ =	shalt  }
0x55: {  	_ =	shalt  }
0x56: {  	_ =	shalt  }
0x57: {  	_ =	shalt  }
0x58: {  	_ =	shalt  }
0x59: {  	_ =	shalt  }
0x5a: {  	_ =	shalt  }
0x5b: {  	_ =	shalt  }
0x5c: {  	_ =	shalt  }
0x5d: {  	_ =	shalt  }
0x5e: {  	_ =	shalt  }
0x5f: {  	_ =	shalt  }
0x60: {  	_ =	shalt  }
0x61: {  	_ =	shalt  }
0x62: {  	_ =	shalt  }
0x63: {  	_ =	shalt  }
0x64: {  	_ =	shalt  }
0x65: {  	_ =	shalt  }
0x66: {  	_ =	shalt  }
0x67: {  	_ =	shalt  }
0x68: {  	_ =	shalt  }
0x69: {  	_ =	shalt  }
0x6a: {  	_ =	shalt  }
0x6b: {  	_ =	shalt  }
0x6c: {  	_ =	shalt  }
0x6d: {  	_ =	shalt  }
0x6e: {  	_ =	shalt  }
0x6f: {  	_ =	shalt  }
0x70: {  	_ =	shalt  }
0x71: {  	_ =	shalt  }
0x72: {  	_ =	shalt  }
0x73: {  	_ =	shalt  }
0x74: {  	_ =	shalt  }
0x75: {  	_ =	shalt  }
0x76: {  	_ =	shalt  }
0x77: {  	_ =	shalt  }
0x78: {  	_ =	shalt  }
0x79: {  	_ =	shalt  }
0x7a: {  	_ =	shalt  }
0x7b: {  	_ =	shalt  }
0x7c: {  	_ =	shalt  }
0x7d: {  	_ =	shalt  }
0x7e: {  	_ =	shalt  }
0x7f: {  	_ =	shalt  }
0x80: {  	_ =	shalt  }
0x81: {  	_ =	shalt  }
0x82: {  	_ =	shalt  }
0x83: {  	_ =	shalt  }
0x84: {  	_ =	shalt  }
0x85: {  	_ =	shalt  }
0x86: {  	_ =	shalt  }
0x87: {  	_ =	shalt  }
.Lfunc_end0:
.L_simem_size_0:
called_computation_lowered:
.L_overlay_start_0:
0x88: {  	s2 =	sld [smem:$0x3FD9]  }
0x89: {  	s3 =	sld [smem:$0x3FFE];
	_ =	sdelay $0x1  }
0x8a: {  	s1 =	srdreg.scid  }
0x8b: {  	s0 =	sand.u32 $0x1, s1  }
0x8c: {  	s15 =	sshll.u32 s0, $0xA;
	s2 =	sadd.s32 s3, s2  }
0x8d: {  	s2 =	sadd.s32 s2, s15  }
0x8e: {  	[smem:$0x3FC3] =	sst s2  }
0x8f: {  	_ = 	snop  }
0x90: {  	s2 =	sld [smem:$0x3FC9]  }
0x91: {  	s16 =	sld [smem:$0x3FC8]  }
0x92: {  	s4 =	sld [smem:$0x3FD0]  }
0x93: {  	s5 =	sld [smem:$0x3FC7]  }
0x94: {  	s6 =	sld [smem:$0x3FC6]  }
0x95: {  	s8 =	simm.s32 $0xA;
	s9 =	simm.s32 $0x10;
	s7 =	sld [smem:$0x3FC5]  }
0x96: {  	[smem:s9], [sflag:s8] =	dma.local [hbm:s4], $0x1  }
0x97: {  	_ =	swait.eq [sflag:s8], $0x1  }
0x98: {  	s17 =	sld [smem:$0x10];
	[sflag:s8] =	ssyncset.done $0x0  }
0x99: {  	s18 =	sld [smem:$0x11];
	[sflag:s8] =	ssyncadd.s32 $0xFFFFFFFF  }
0x9a: {  	s19 =	sld [smem:$0x12];
	(tm) =	ssettm $0x1  }
0x9b: {  	s10 =	sld [smem:$0x3FFB];
	_ =	sdelay $0x3  }
0x9c: {  	_ =	strace s10  }
0x9d: {  	s10 =	sld [smem:$0x3FFC];
	_ =	sdelay $0x3  }
0x9e: {  	_ =	strace s10  }
0x9f: {  	s10 =	sld [smem:$0x3FFD];
	_ =	sdelay $0x3  }
0xa0: {  	_ =	strace s10  }
0xa1: {  	_ =	strace $0x8FFFFFFF  }
0xa2: {  	s20 =	sld [smem:$0x3FDB];
	_ =	sdelay $0x1  }
0xa3: {  	s11 =	simm.s32 $_scs_section_size  }
0xa4: {  	s12 =	simm.s32 $_size__tile_overlayer_lowered;
	s13 =	simm.s32 $_tile_overlayer_lowered  }
0xa5: {  	s23 =	simm.s32 $0x1BFF;
	s22 =	sshll.u32 s13, $0x1;
	s10 =	sadd.s32 s11, s20  }
0xa6: {  	s14 =	simm.s32 $0x0;
	s21 =	sshll.u32 s12, $0x1;
	s12 =	sadd.s32 s22, s10  }
0xa7: {  	[timem:s14], [sflag:s23] =	dma.local [hbm:s12], s21  }
0xa8: {  	_ =	swait.ge [sflag:s23], s21  }
0xa9: {  	s11 =	ssub.s32 $0x0, s21;
	[sflag:s23] =	ssyncset.done $0x0  }
0xaa: {  	[sflag:s23] =	ssyncadd.s32 s11;
	_ =	sdelay $0x1  }
0xab: {  	s24 =	simm.s32 $0x1B8B  }
0xac: {  	_ =	swait.ge [sflag:s24], $0x1  }
0xad: {  	[sflag:s24] =	ssyncset.done $0x0  }
0xae: {  	s25 =	simm.s32 $0x1B8E;
	[sflag:s24] =	ssyncadd.s32 $0xFFFFFFFF  }
0xaf: {  	s26 =	simm.s32 $execute0_lowered;
	[smem:$0x3FD2] =	sst s25  }
0xb0: {  	s11 =	sshll.u32 s26, $0x1;
	_ =	strace $0x80000046;
	[dreg:$0x1] =	wrdreg $0xFFFFFFFF  }
0xb1: {  	s28 =	simm.s32 $_size_execute0_lowered;
	s10 =	sadd.s32 s10, s11;
	[dreg:$0x0] =	wrdreg $0x0  }
0xb2: {  	s11 =	sshll.u32 s28, $0x1;
	[dreg:$0x2] =	wrdreg s10  }
0xb3: {  	[dreg:$0x3] =	wrdreg s11  }
0xb4: {  	[dreg:$0x4] =	wrdreg $0xC0  }
0xb5: {  	_ =	task [dreg:s14], $0x5FFFF  }
0xb6: {  	[dreg:$0x1] =	wrdreg $0xFFFFFFFF  }
0xb7: {  	[dreg:$0x0] =	wrdreg $0x60  }
0xb8: {  	[dreg:$0x2] =	wrdreg s2  }
0xb9: {  	[dreg:$0x3] =	wrdreg s16  }
0xba: {  	[dreg:$0x4] =	wrdreg s5  }
0xbb: {  	[dreg:$0x5] =	wrdreg s6  }
0xbc: {  	[dreg:$0x6] =	wrdreg s7  }
0xbd: {  	[dreg:$0x7] =	wrdreg s17  }
0xbe: {  	[dreg:$0x8] =	wrdreg s18  }
0xbf: {  	[dreg:$0x9] =	wrdreg s19  }
0xc0: {  	[dreg:$0xa] =	wrdreg $0x9  }
0xc1: {  	_ =	task.clear_ibuf [dreg:s14], $0xBFFFF;
	_ =	strace $0x90000046  }
0xc2: {  	s29 =	simm.s32 $0x9;
	_ =	strace $0x80000048  }
0xc3: {  	_ =	swait.ge [sflag:s29], $0x1  }
0xc4: {  	[sflag:s29] =	ssyncadd.s32 $0xFFFFFFFF  }
0xc5: {  	_ =	strace $0x90000048  }
0xc6: {  	_ =	sfence  }
0xc7: {  	s30 =	sld [smem:$0x0];
	_ =	sdelay $0x2  }
0xc8: {  	s31 =	sshll.u32 s1, $0xD;
	s1 =	sshrl.u32 s1, $0x2  }
0xc9: {  	s3 =	sand.u32 $0x4000, s31;
	s1 =	sadd.s32 s1, s30  }
0xca: {  	s0 =	sor.u32 s3, s0;
	s1 =	sshll.u32 s1, $0x11  }
0xcb: {  	s0 =	sor.u32 s1, s0  }
0xcc: {  	s0 =	sadd.s32 $0x8F2B, s0  }
0xcd: {  	[sflag:s0] =	ssyncadd.remote.s32 $0x1  }
0xce: {  	_ =	sfence.sel $0xFFFF  }
0xcf: {  	[dreg:$0x0] =	wrdreg $0xFFFFFFFF;
	(pc) =	sbr.abs _section_cstart, $3  }
0xd0: {  	[dreg:$0x1] =	wrdreg $0xFFFFFFFF  }
0xd1: {  	_ =	task.clear_ibuf [dreg:s14], $0x2FFFF;
	_ =	strace $0x9FFFFFFF  }
0xd2: {  	(tm) =	ssettm $0x7FFFFFFF  }
0xd3: {  	_ =	shalt  }
tec
execute0_lowered:
.L_overlay_start_1:
0x0: {  	(tag) =	ssettag $0x1  }
0x1: {  	s0 =	rddreg [dreg:$0x0]  }
0x2: {  	s1 =	rddreg [dreg:$0x1]  }
0x3: {  	s5 =	rddreg [dreg:$0x2]  }
0x4: {  	s3 =	rddreg [dreg:$0x3]  }
0x5: {  	s4 =	rddreg [dreg:$0x4]  }
0x6: {  	s6 =	rddreg [dreg:$0x5]  }
0x7: {  	s2 =	srdreg.scid;
	s7 =	rddreg [dreg:$0x6]  }
0x8: {  	s10 =	stileid.u32;
	s9 =	rddreg [dreg:$0x7];
	s8 =	sand.u32 $0x1, s2  }
0x9: {  	s29 =	simm.s32 $0x200;
	s10 =	sshll.u32 s10, $0xA;
	s11 =	sshll.u32 s8, $0x9  }
0xa: {  	s30 =	simm.s32 $0x1;
	s31 =	simm.s32 $0x2;
	s10 =	sor.u32 s11, s10  }
0xb: {  	s28 =	simm.s32 $0x3;
	s2 =	simm.s32 $0x0;
	s11 =	sshrl.u32 s10, $0x3  }
0xc: {  	p0 =	por $0x0, $0x0;
	[smem:$0x7FF] =	sst s2;
	s0 =	sadd.s32 s0, s11  }
0xd: {  	_ =	strace $0x80000047;
	s14 =	sadd.s32 s1, s11;
	[dreg:$0x9] =	wrdreg s0  }
0xe: {  	s16 =	sshll.u32 s10, $0x4;
	s15 =	sadd.s32 s5, s11;
	[dreg:$0xa] =	wrdreg s14  }
0xf: {  	s17 =	sadd.s32 s6, s16;
	s18 =	sor.u32 $0x800, s16;
	[dreg:$0xb] =	wrdreg s15  }
0x10: {  	s10 =	sor.u32 $0x1000, s16;
	s23 =	sadd.s32 s7, s16;
	[dreg:$0xc] =	wrdreg s17  }
0x11: {  	s21 =	sor.u32 $0x1800, s16;
	s19 =	sadd.s32 s6, s18;
	[dreg:$0x10] =	wrdreg s23  }
0x12: {  	s5 =	simm.s32 $0x14600;
	s20 =	sadd.s32 s6, s10;
	[dreg:$0xd] =	wrdreg s19  }
0x13: {  	s11 =	simm.s32 $0xF;
	s22 =	sadd.s32 s6, s21;
	[dreg:$0xe] =	wrdreg s20  }
0x14: {  	s24 =	sadd.s32 s7, s18;
	s25 =	sadd.s32 s7, s10;
	[dreg:$0xf] =	wrdreg s22  }
0x15: {  	s26 =	sadd.s32 s7, s21;
	s6 =	sadd.s32 s9, s16;
	[dreg:$0x11] =	wrdreg s24  }
0x16: {  	s7 =	ssub.s32 $0x2, s8;
	s8 =	sadd.s32 s9, s18;
	[dreg:$0x12] =	wrdreg s25  }
0x17: {  	s13 =	sadd.s32 s9, s10;
	s14 =	sadd.s32 s9, s21;
	[dreg:$0x13] =	wrdreg s26  }
0x18: {  	s23 =	simm.s32 $0x400;
	s21 =	simm.s32 $0x600;
	[dreg:$0x14] =	wrdreg s6  }
0x19: {  	s17 =	simm.s32 $0x100;
	s16 =	simm.s32 $0x4600;
	[dreg:$0x15] =	wrdreg s8  }
0x1a: {  	s18 =	simm.s32 $0x180;
	s10 =	simm.s32 $0xC600;
	[dreg:$0x16] =	wrdreg s13  }
0x1b: {  	s9 =	simm.s32 $0xC;
	s12 =	sshrl.u32 s7, $0x1;
	[dreg:$0x17] =	wrdreg s14  }
0x1c: {  	s13 =	simm.s32 $0x80;
	[dreg:$0x18] =	wrdreg s17;
	s14 =	simm.s32 $0x8600  }
0x1d: {  	[dreg:$0x19] =	wrdreg s18;
	s6 =	simm.s32 $0x10600;
	s19 =	simm.s32 $0x280  }
0x1e: {  	s24 =	simm.s32 $0x4;
	s22 =	simm.s32 $0x5;
	s1 =	ssub.s32 s7, s12  }
0x1f: {  	s18 =	simm.s32 $0x6;
	s20 =	simm.s32 $0x300;
	s15 =	smax.u32 s1, $0x1  }
0x20: {  	s25 =	simm.s32 $0x380;
	s0 =	rddreg [dreg:$0x9];
	p1 =	sne.s32 s15, $0x1  }
.Ltmp0:
0x21: {  	s8 =	simm.s32 $0xB;
	[dreg:$0x1a] =	wrdreg s19;
	(pc) =	sbr.rel @!p1 .LBB2_1-.Ltmp0, $4  }
0x22: {  	s17 =	simm.s32 $0x8;
	s26 =	simm.s32 $0x480;
	[dreg:$0x1b] =	wrdreg s20  }
0x23: {  	s7 =	simm.s32 $0xA;
	s19 =	simm.s32 $0x7;
	[dreg:$0x1c] =	wrdreg s25  }
0x24: {  	[dreg:$0x1d] =	wrdreg s26;
	s20 =	simm.s32 $0x9;
	s12 =	simm.s32 $0xE  }
0x25: {  	s26 =	simm.s32 $0x580;
	s25 =	sadd.s32 $0xFFFFFFFF, s15;
	s15 =	simm.s32 $0xD  }
0x26: {  	[tilespmem:s2], [sflag:$0x1] =	stream.linear.gather [hbm4b:s0+s2], $0x200, $0x38;
	[tilespmem:$0x18600] =	vst v63  }
0x27: {  	s1 =	rddreg [dreg:$0xa]  }
0x28: {  	[tilespmem:s29], [sflag:$0x2] =	stream.linear.gather [hbm4b:s1+s2], $0x200, $0x38;
	[tilespmem:$0x18600] =	vst v63  }
0x29: {  	s0 =	rddreg [dreg:$0xb]  }
0x2a: {  	[tilespmem:s23], [sflag:$0x3] =	stream.linear.gather [hbm4b:s0+s2], $0x200, $0x38;
	[tilespmem:$0x18600] =	vst v63  }
0x2b: {  	_ =	swait.ge [sflag:s30], $0x200  }
0x2c: {  	[sflag:s30] =	ssyncset.done $0x0  }
0x2d: {  	[sflag:s30] =	ssyncadd.s32 $0xFFFFFE00  }
0x2e: {  	[tilespmem:s21], [sflag:$0x4] =	stream.indirect.gather [hbm4b:s3+s13], $0x80, s2, s13, $0xb8;
	[tilespmem:$0x18600] =	vst v63  }
0x2f: {  	_ = 	snop  }
0x30: {  	[tilespmem:s16], [sflag:$0x5] =	stream.indirect.gather [hbm4b:s3+s13], $0x80, s13, s13, $0xb8;
	[tilespmem:$0x18600] =	vst v63  }
0x31: {  	s0 =	rddreg [dreg:$0x18]  }
0x32: {  	[tilespmem:s14], [sflag:$0x6] =	stream.indirect.gather [hbm4b:s3+s13], $0x80, s0, s13, $0xb8;
	[tilespmem:$0x18600] =	vst v63  }
0x33: {  	s1 =	rddreg [dreg:$0x19]  }
0x34: {  	[tilespmem:s10], [sflag:$0x7] =	stream.indirect.gather [hbm4b:s3+s13], $0x80, s1, s13, $0xb8;
	[tilespmem:$0x18600] =	vst v63  }
0x35: {  	_ =	swait.ge [sflag:s31], $0x200  }
0x36: {  	[sflag:s31] =	ssyncset.done $0x0  }
0x37: {  	[sflag:s31] =	ssyncadd.s32 $0xFFFFFE00  }
0x38: {  	[tilespmem:s6], [sflag:$0x8] =	stream.indirect.gather [hbm4b:s4+s13], $0x80, s29, s13, $0xb8;
	[tilespmem:$0x18600] =	vst v63  }
0x39: {  	s1 =	rddreg [dreg:$0x1a]  }
0x3a: {  	[tilespmem:s5], [sflag:$0x9] =	stream.indirect.gather [hbm4b:s4+s13], $0x80, s1, s13, $0xb8;
	[tilespmem:$0x18600] =	vst v63  }
0x3b: {  	_ =	swait.ge [sflag:s24], $0x4000  }
0x3c: {  	[sflag:s24] =	ssyncset.done $0x0  }
0x3d: {  	s1 =	rddreg [dreg:$0xc];
	[sflag:s24] =	ssyncadd.s32 $0xFFFFC000  }
0x3e: {  	[hbm4b:s1+s2] =	stream.linear.scatter [tilespmem:s21], [sflag:$0xA], $0x4000, $0x38;
	[tilespmem:$0x18600] =	vst v63  }
0x3f: {  	_ =	swait.ge [sflag:s22], $0x4000  }
0x40: {  	[sflag:s22] =	ssyncset.done $0x0  }
0x41: {  	s1 =	rddreg [dreg:$0xd];
	[sflag:s22] =	ssyncadd.s32 $0xFFFFC000  }
0x42: {  	[hbm4b:s1+s2] =	stream.linear.scatter [tilespmem:s16], [sflag:$0xB], $0x4000, $0x38;
	[tilespmem:$0x18600] =	vst v63  }
0x43: {  	_ =	swait.ge [sflag:s18], $0x4000  }
0x44: {  	[sflag:s18] =	ssyncset.done $0x0  }
0x45: {  	s1 =	rddreg [dreg:$0xe];
	[sflag:s18] =	ssyncadd.s32 $0xFFFFC000  }
0x46: {  	[hbm4b:s1+s2] =	stream.linear.scatter [tilespmem:s14], [sflag:$0xC], $0x4000, $0x38;
	[tilespmem:$0x18600] =	vst v63  }
0x47: {  	_ =	swait.ge [sflag:s7], $0x4000  }
0x48: {  	[sflag:s7] =	ssyncset.done $0x0  }
0x49: {  	s1 =	rddreg [dreg:$0x1b];
	[sflag:s7] =	ssyncadd.s32 $0xFFFFC000  }
0x4a: {  	[tilespmem:s21], [sflag:$0x4] =	stream.indirect.gather [hbm4b:s4+s13], $0x80, s1, s13, $0xb8;
	[tilespmem:$0x18600] =	vst v63  }
0x4b: {  	_ =	swait.ge [sflag:s19], $0x4000  }
0x4c: {  	[sflag:s19] =	ssyncset.done $0x0  }
0x4d: {  	s1 =	rddreg [dreg:$0xf];
	[sflag:s19] =	ssyncadd.s32 $0xFFFFC000  }
0x4e: {  	[hbm4b:s1+s2] =	stream.linear.scatter [tilespmem:s10], [sflag:$0xD], $0x4000, $0x38;
	[tilespmem:$0x18600] =	vst v63  }
0x4f: {  	_ =	swait.ge [sflag:s8], $0x4000  }
0x50: {  	[sflag:s8] =	ssyncset.done $0x0  }
0x51: {  	s1 =	rddreg [dreg:$0x1c];
	[sflag:s8] =	ssyncadd.s32 $0xFFFFC000  }
0x52: {  	[tilespmem:s16], [sflag:$0x5] =	stream.indirect.gather [hbm4b:s4+s13], $0x80, s1, s13, $0xb8;
	[tilespmem:$0x18600] =	vst v63  }
0x53: {  	_ =	swait.ge [sflag:s17], $0x4000  }
0x54: {  	[sflag:s17] =	ssyncset.done $0x0  }
0x55: {  	s1 =	rddreg [dreg:$0x10];
	[sflag:s17] =	ssyncadd.s32 $0xFFFFC000  }
0x56: {  	[hbm4b:s1+s2] =	stream.linear.scatter [tilespmem:s6], [sflag:$0xE], $0x4000, $0x38;
	[tilespmem:$0x18600] =	vst v63  }
0x57: {  	_ =	swait.ge [sflag:s9], $0x4000  }
0x58: {  	[sflag:s9] =	ssyncset.done $0x0  }
0x59: {  	[sflag:s9] =	ssyncadd.s32 $0xFFFFC000  }
0x5a: {  	_ =	swait.ge [sflag:s28], $0x200  }
0x5b: {  	[sflag:s28] =	ssyncset.done $0x0  }
0x5c: {  	[sflag:s28] =	ssyncadd.s32 $0xFFFFFE00  }
0x5d: {  	[tilespmem:s14], [sflag:$0x6] =	stream.indirect.gather [hbm4b:s3+s13], $0x80, s23, s13, $0xb8;
	[tilespmem:$0x18600] =	vst v63  }
0x5e: {  	_ =	swait.ge [sflag:s20], $0x4000  }
0x5f: {  	[sflag:s20] =	ssyncset.done $0x0  }
0x60: {  	s1 =	rddreg [dreg:$0x11];
	[sflag:s20] =	ssyncadd.s32 $0xFFFFC000  }
0x61: {  	[hbm4b:s1+s2] =	stream.linear.scatter [tilespmem:s5], [sflag:$0xF], $0x4000, $0x38;
	[tilespmem:$0x18600] =	vst v63  }
0x62: {  	_ =	swait.ge [sflag:s15], $0x4000  }
0x63: {  	[sflag:s15] =	ssyncset.done $0x0  }
0x64: {  	s1 =	rddreg [dreg:$0x1d];
	[sflag:s15] =	ssyncadd.s32 $0xFFFFC000  }
0x65: {  	[tilespmem:s10], [sflag:$0x7] =	stream.indirect.gather [hbm4b:s3+s13], $0x80, s1, s13, $0xb8;
	[tilespmem:$0x18600] =	vst v63  }
0x66: {  	_ =	swait.ge [sflag:s24], $0x4000  }
0x67: {  	[sflag:s24] =	ssyncset.done $0x0  }
0x68: {  	s1 =	rddreg [dreg:$0x12];
	[sflag:s24] =	ssyncadd.s32 $0xFFFFC000  }
0x69: {  	[hbm4b:s1+s2] =	stream.linear.scatter [tilespmem:s21], [sflag:$0xA], $0x4000, $0x38;
	[tilespmem:$0x18600] =	vst v63  }
0x6a: {  	_ =	swait.ge [sflag:s12], $0x4000  }
0x6b: {  	[sflag:s12] =	ssyncset.done $0x0  }
0x6c: {  	s1 =	simm.s32 $0x500;
	[sflag:s12] =	ssyncadd.s32 $0xFFFFC000  }
0x6d: {  	[tilespmem:s6], [sflag:$0x8] =	stream.indirect.gather [hbm4b:s3+s13], $0x80, s1, s13, $0xb8;
	[tilespmem:$0x18600] =	vst v63  }
0x6e: {  	_ =	swait.ge [sflag:s22], $0x4000  }
0x6f: {  	[sflag:s22] =	ssyncset.done $0x0  }
0x70: {  	s1 =	rddreg [dreg:$0x13];
	[sflag:s22] =	ssyncadd.s32 $0xFFFFC000  }
0x71: {  	[hbm4b:s1+s2] =	stream.linear.scatter [tilespmem:s16], [sflag:$0xB], $0x4000, $0x38;
	[tilespmem:$0x18600] =	vst v63  }
0x72: {  	_ =	swait.ge [sflag:s11], $0x4000  }
0x73: {  	[sflag:s11] =	ssyncset.done $0x0  }
0x74: {  	[sflag:s11] =	ssyncadd.s32 $0xFFFFC000  }
0x75: {  	[tilespmem:s5], [sflag:$0x9] =	stream.indirect.gather [hbm4b:s3+s13], $0x80, s26, s13, $0xb8;
	[tilespmem:$0x18600] =	vst v63  }
0x76: {  	_ =	swait.ge [sflag:s18], $0x4000  }
0x77: {  	[sflag:s18] =	ssyncset.done $0x0  }
0x78: {  	s1 =	rddreg [dreg:$0x14];
	[sflag:s18] =	ssyncadd.s32 $0xFFFFC000  }
0x79: {  	[hbm4b:s1+s2] =	stream.linear.scatter [tilespmem:s14], [sflag:$0xC], $0x4000, $0x38;
	[tilespmem:$0x18600] =	vst v63  }
0x7a: {  	_ =	swait.ge [sflag:s19], $0x4000  }
0x7b: {  	[sflag:s19] =	ssyncset.done $0x0  }
0x7c: {  	s1 =	rddreg [dreg:$0x15];
	[sflag:s19] =	ssyncadd.s32 $0xFFFFC000  }
0x7d: {  	[hbm4b:s1+s2] =	stream.linear.scatter [tilespmem:s10], [sflag:$0xD], $0x4000, $0x38;
	[tilespmem:$0x18600] =	vst v63  }
0x7e: {  	_ =	swait.ge [sflag:s17], $0x4000  }
0x7f: {  	[sflag:s17] =	ssyncset.done $0x0  }
0x80: {  	s1 =	rddreg [dreg:$0x16];
	[sflag:s17] =	ssyncadd.s32 $0xFFFFC000  }
0x81: {  	[hbm4b:s1+s2] =	stream.linear.scatter [tilespmem:s6], [sflag:$0xE], $0x4000, $0x38;
	[tilespmem:$0x18600] =	vst v63  }
0x82: {  	_ =	swait.ge [sflag:s20], $0x4000  }
0x83: {  	[sflag:s20] =	ssyncset.done $0x0  }
0x84: {  	s1 =	rddreg [dreg:$0x17];
	[sflag:s20] =	ssyncadd.s32 $0xFFFFC000  }
0x85: {  	[hbm4b:s1+s2] =	stream.linear.scatter [tilespmem:s5], [sflag:$0xF], $0x4000, $0x38;
	[tilespmem:$0x18600] =	vst v63  }
0x86: {  	_ =	swait.ge [sflag:s7], $0x4000  }
0x87: {  	[sflag:s7] =	ssyncset.done $0x0  }
0x88: {  	[sflag:s7] =	ssyncadd.s32 $0xFFFFC000  }
0x89: {  	_ =	swait.ge [sflag:s8], $0x4000  }
0x8a: {  	[sflag:s8] =	ssyncset.done $0x0  }
0x8b: {  	[sflag:s8] =	ssyncadd.s32 $0xFFFFC000  }
0x8c: {  	_ =	swait.ge [sflag:s9], $0x4000  }
0x8d: {  	[sflag:s9] =	ssyncset.done $0x0  }
0x8e: {  	[sflag:s9] =	ssyncadd.s32 $0xFFFFC000  }
0x8f: {  	_ =	swait.ge [sflag:s15], $0x4000  }
0x90: {  	[sflag:s15] =	ssyncset.done $0x0  }
0x91: {  	p1 =	sne.s32 s25, $0x1;
	[sflag:s15] =	ssyncadd.s32 $0xFFFFC000  }
.Ltmp1:
0x92: {  	_ =	swait.ge [sflag:s12], $0x4000;
	(pc) =	sbr.rel @!p1 .LBB2_3-.Ltmp1, $4  }
0x93: {  	[sflag:s12] =	ssyncset.done $0x0  }
0x94: {  	[sflag:s12] =	ssyncadd.s32 $0xFFFFC000  }
0x95: {  	p0 =	por $0x1, $0x1;
	_ =	swait.ge [sflag:s11], $0x4000  }
0x96: {  	s1 =	sadd.s32 $0xFFFFFFFF, s25;
	s0 =	rddreg [dreg:$0x9];
	[sflag:s11] =	ssyncset.done $0x0  }
.LBB2_4:
0x97: {  	[sflag:s11] =	ssyncadd.s32 $0xFFFFC000  }
0x98: {  	[tilespmem:s2], [sflag:$0x1] =	stream.linear.gather [hbm4b:s0+s2], $0x200, $0x38;
	[tilespmem:$0x18600] =	vst v63  }
0x99: {  	s25 =	rddreg [dreg:$0xa]  }
0x9a: {  	[tilespmem:s29], [sflag:$0x2] =	stream.linear.gather [hbm4b:s25+s2], $0x200, $0x38;
	[tilespmem:$0x18600] =	vst v63  }
0x9b: {  	s0 =	rddreg [dreg:$0xb]  }
0x9c: {  	[tilespmem:s23], [sflag:$0x3] =	stream.linear.gather [hbm4b:s0+s2], $0x200, $0x38;
	[tilespmem:$0x18600] =	vst v63  }
0x9d: {  	_ =	swait.ge [sflag:s30], $0x200  }
0x9e: {  	[sflag:s30] =	ssyncset.done $0x0  }
0x9f: {  	[sflag:s30] =	ssyncadd.s32 $0xFFFFFE00  }
0xa0: {  	[tilespmem:s21], [sflag:$0x4] =	stream.indirect.gather [hbm4b:s3+s13], $0x80, s2, s13, $0xb8;
	[tilespmem:$0x18600] =	vst v63  }
0xa1: {  	_ = 	snop  }
0xa2: {  	[tilespmem:s16], [sflag:$0x5] =	stream.indirect.gather [hbm4b:s3+s13], $0x80, s13, s13, $0xb8;
	[tilespmem:$0x18600] =	vst v63  }
0xa3: {  	s0 =	rddreg [dreg:$0x18]  }
0xa4: {  	[tilespmem:s14], [sflag:$0x6] =	stream.indirect.gather [hbm4b:s3+s13], $0x80, s0, s13, $0xb8;
	[tilespmem:$0x18600] =	vst v63  }
0xa5: {  	s25 =	rddreg [dreg:$0x19]  }
0xa6: {  	[tilespmem:s10], [sflag:$0x7] =	stream.indirect.gather [hbm4b:s3+s13], $0x80, s25, s13, $0xb8;
	[tilespmem:$0x18600] =	vst v63  }
0xa7: {  	_ =	swait.ge [sflag:s31], $0x200  }
0xa8: {  	[sflag:s31] =	ssyncset.done $0x0  }
0xa9: {  	[sflag:s31] =	ssyncadd.s32 $0xFFFFFE00  }
0xaa: {  	[tilespmem:s6], [sflag:$0x8] =	stream.indirect.gather [hbm4b:s4+s13], $0x80, s29, s13, $0xb8;
	[tilespmem:$0x18600] =	vst v63  }
0xab: {  	s25 =	rddreg [dreg:$0x1a]  }
0xac: {  	[tilespmem:s5], [sflag:$0x9] =	stream.indirect.gather [hbm4b:s4+s13], $0x80, s25, s13, $0xb8;
	[tilespmem:$0x18600] =	vst v63  }
0xad: {  	_ =	swait.ge [sflag:s24], $0x4000  }
0xae: {  	[sflag:s24] =	ssyncset.done $0x0  }
0xaf: {  	s25 =	rddreg [dreg:$0xc];
	[sflag:s24] =	ssyncadd.s32 $0xFFFFC000  }
0xb0: {  	[hbm4b:s25+s2] =	stream.linear.scatter [tilespmem:s21], [sflag:$0xA], $0x4000, $0x38;
	[tilespmem:$0x18600] =	vst v63  }
0xb1: {  	_ =	swait.ge [sflag:s22], $0x4000  }
0xb2: {  	[sflag:s22] =	ssyncset.done $0x0  }
0xb3: {  	s25 =	rddreg [dreg:$0xd];
	[sflag:s22] =	ssyncadd.s32 $0xFFFFC000  }
0xb4: {  	[hbm4b:s25+s2] =	stream.linear.scatter [tilespmem:s16], [sflag:$0xB], $0x4000, $0x38;
	[tilespmem:$0x18600] =	vst v63  }
0xb5: {  	_ =	swait.ge [sflag:s18], $0x4000  }
0xb6: {  	[sflag:s18] =	ssyncset.done $0x0  }
0xb7: {  	s25 =	rddreg [dreg:$0xe];
	[sflag:s18] =	ssyncadd.s32 $0xFFFFC000  }
0xb8: {  	[hbm4b:s25+s2] =	stream.linear.scatter [tilespmem:s14], [sflag:$0xC], $0x4000, $0x38;
	[tilespmem:$0x18600] =	vst v63  }
0xb9: {  	_ =	swait.ge [sflag:s7], $0x4000  }
0xba: {  	[sflag:s7] =	ssyncset.done $0x0  }
0xbb: {  	s25 =	rddreg [dreg:$0x1b];
	[sflag:s7] =	ssyncadd.s32 $0xFFFFC000  }
0xbc: {  	[tilespmem:s21], [sflag:$0x4] =	stream.indirect.gather [hbm4b:s4+s13], $0x80, s25, s13, $0xb8;
	[tilespmem:$0x18600] =	vst v63  }
0xbd: {  	_ =	swait.ge [sflag:s19], $0x4000  }
0xbe: {  	[sflag:s19] =	ssyncset.done $0x0  }
0xbf: {  	s25 =	rddreg [dreg:$0xf];
	[sflag:s19] =	ssyncadd.s32 $0xFFFFC000  }
0xc0: {  	[hbm4b:s25+s2] =	stream.linear.scatter [tilespmem:s10], [sflag:$0xD], $0x4000, $0x38;
	[tilespmem:$0x18600] =	vst v63  }
0xc1: {  	_ =	swait.ge [sflag:s8], $0x4000  }
0xc2: {  	[sflag:s8] =	ssyncset.done $0x0  }
0xc3: {  	s25 =	rddreg [dreg:$0x1c];
	[sflag:s8] =	ssyncadd.s32 $0xFFFFC000  }
0xc4: {  	[tilespmem:s16], [sflag:$0x5] =	stream.indirect.gather [hbm4b:s4+s13], $0x80, s25, s13, $0xb8;
	[tilespmem:$0x18600] =	vst v63  }
0xc5: {  	_ =	swait.ge [sflag:s17], $0x4000  }
0xc6: {  	[sflag:s17] =	ssyncset.done $0x0  }
0xc7: {  	s25 =	rddreg [dreg:$0x10];
	[sflag:s17] =	ssyncadd.s32 $0xFFFFC000  }
0xc8: {  	[hbm4b:s25+s2] =	stream.linear.scatter [tilespmem:s6], [sflag:$0xE], $0x4000, $0x38;
	[tilespmem:$0x18600] =	vst v63  }
0xc9: {  	_ =	swait.ge [sflag:s9], $0x4000  }
0xca: {  	[sflag:s9] =	ssyncset.done $0x0  }
0xcb: {  	[sflag:s9] =	ssyncadd.s32 $0xFFFFC000  }
0xcc: {  	_ =	swait.ge [sflag:s28], $0x200  }
0xcd: {  	[sflag:s28] =	ssyncset.done $0x0  }
0xce: {  	[sflag:s28] =	ssyncadd.s32 $0xFFFFFE00  }
0xcf: {  	[tilespmem:s14], [sflag:$0x6] =	stream.indirect.gather [hbm4b:s3+s13], $0x80, s23, s13, $0xb8;
	[tilespmem:$0x18600] =	vst v63  }
0xd0: {  	_ =	swait.ge [sflag:s20], $0x4000  }
0xd1: {  	[sflag:s20] =	ssyncset.done $0x0  }
0xd2: {  	s25 =	rddreg [dreg:$0x11];
	[sflag:s20] =	ssyncadd.s32 $0xFFFFC000  }
0xd3: {  	[hbm4b:s25+s2] =	stream.linear.scatter [tilespmem:s5], [sflag:$0xF], $0x4000, $0x38;
	[tilespmem:$0x18600] =	vst v63  }
0xd4: {  	_ =	swait.ge [sflag:s15], $0x4000  }
0xd5: {  	[sflag:s15] =	ssyncset.done $0x0  }
0xd6: {  	s25 =	rddreg [dreg:$0x1d];
	[sflag:s15] =	ssyncadd.s32 $0xFFFFC000  }
0xd7: {  	[tilespmem:s10], [sflag:$0x7] =	stream.indirect.gather [hbm4b:s3+s13], $0x80, s25, s13, $0xb8;
	[tilespmem:$0x18600] =	vst v63  }
0xd8: {  	_ =	swait.ge [sflag:s24], $0x4000  }
0xd9: {  	[sflag:s24] =	ssyncset.done $0x0  }
0xda: {  	s25 =	rddreg [dreg:$0x12];
	[sflag:s24] =	ssyncadd.s32 $0xFFFFC000  }
0xdb: {  	[hbm4b:s25+s2] =	stream.linear.scatter [tilespmem:s21], [sflag:$0xA], $0x4000, $0x38;
	[tilespmem:$0x18600] =	vst v63  }
0xdc: {  	_ =	swait.ge [sflag:s12], $0x4000  }
0xdd: {  	[sflag:s12] =	ssyncset.done $0x0  }
0xde: {  	s25 =	simm.s32 $0x500;
	[sflag:s12] =	ssyncadd.s32 $0xFFFFC000  }
0xdf: {  	[tilespmem:s6], [sflag:$0x8] =	stream.indirect.gather [hbm4b:s3+s13], $0x80, s25, s13, $0xb8;
	[tilespmem:$0x18600] =	vst v63  }
0xe0: {  	_ =	swait.ge [sflag:s22], $0x4000  }
0xe1: {  	[sflag:s22] =	ssyncset.done $0x0  }
0xe2: {  	s25 =	rddreg [dreg:$0x13];
	[sflag:s22] =	ssyncadd.s32 $0xFFFFC000  }
0xe3: {  	[hbm4b:s25+s2] =	stream.linear.scatter [tilespmem:s16], [sflag:$0xB], $0x4000, $0x38;
	[tilespmem:$0x18600] =	vst v63  }
0xe4: {  	_ =	swait.ge [sflag:s11], $0x4000  }
0xe5: {  	[sflag:s11] =	ssyncset.done $0x0  }
0xe6: {  	[sflag:s11] =	ssyncadd.s32 $0xFFFFC000  }
0xe7: {  	[tilespmem:s5], [sflag:$0x9] =	stream.indirect.gather [hbm4b:s3+s13], $0x80, s26, s13, $0xb8;
	[tilespmem:$0x18600] =	vst v63  }
0xe8: {  	_ =	swait.ge [sflag:s18], $0x4000  }
0xe9: {  	[sflag:s18] =	ssyncset.done $0x0  }
0xea: {  	s25 =	rddreg [dreg:$0x14];
	[sflag:s18] =	ssyncadd.s32 $0xFFFFC000  }
0xeb: {  	[hbm4b:s25+s2] =	stream.linear.scatter [tilespmem:s14], [sflag:$0xC], $0x4000, $0x38;
	[tilespmem:$0x18600] =	vst v63  }
0xec: {  	_ =	swait.ge [sflag:s19], $0x4000  }
0xed: {  	[sflag:s19] =	ssyncset.done $0x0  }
0xee: {  	s25 =	rddreg [dreg:$0x15];
	[sflag:s19] =	ssyncadd.s32 $0xFFFFC000  }
0xef: {  	[hbm4b:s25+s2] =	stream.linear.scatter [tilespmem:s10], [sflag:$0xD], $0x4000, $0x38;
	[tilespmem:$0x18600] =	vst v63  }
0xf0: {  	_ =	swait.ge [sflag:s17], $0x4000  }
0xf1: {  	[sflag:s17] =	ssyncset.done $0x0  }
0xf2: {  	s25 =	rddreg [dreg:$0x16];
	[sflag:s17] =	ssyncadd.s32 $0xFFFFC000  }
0xf3: {  	[hbm4b:s25+s2] =	stream.linear.scatter [tilespmem:s6], [sflag:$0xE], $0x4000, $0x38;
	[tilespmem:$0x18600] =	vst v63  }
0xf4: {  	_ =	swait.ge [sflag:s20], $0x4000  }
0xf5: {  	[sflag:s20] =	ssyncset.done $0x0  }
0xf6: {  	s25 =	rddreg [dreg:$0x17];
	[sflag:s20] =	ssyncadd.s32 $0xFFFFC000  }
0xf7: {  	[hbm4b:s25+s2] =	stream.linear.scatter [tilespmem:s5], [sflag:$0xF], $0x4000, $0x38;
	[tilespmem:$0x18600] =	vst v63  }
0xf8: {  	_ =	swait.ge [sflag:s7], $0x4000  }
0xf9: {  	[sflag:s7] =	ssyncset.done $0x0  }
0xfa: {  	[sflag:s7] =	ssyncadd.s32 $0xFFFFC000  }
0xfb: {  	_ =	swait.ge [sflag:s8], $0x4000  }
0xfc: {  	[sflag:s8] =	ssyncset.done $0x0  }
0xfd: {  	[sflag:s8] =	ssyncadd.s32 $0xFFFFC000  }
0xfe: {  	_ =	swait.ge [sflag:s9], $0x4000  }
0xff: {  	[sflag:s9] =	ssyncset.done $0x0  }
0x100: {  	[sflag:s9] =	ssyncadd.s32 $0xFFFFC000  }
0x101: {  	_ =	swait.ge [sflag:s15], $0x4000  }
0x102: {  	[sflag:s15] =	ssyncset.done $0x0  }
0x103: {  	p1 =	sne.s32 s1, $0x1;
	[sflag:s15] =	ssyncadd.s32 $0xFFFFC000  }
.Ltmp2:
0x104: {  	_ =	swait.ge [sflag:s12], $0x4000;
	(pc) =	sbr.rel @p1 .LBB2_4-.Ltmp2, $4  }
0x105: {  	[sflag:s12] =	ssyncset.done $0x0  }
0x106: {  	[sflag:s12] =	ssyncadd.s32 $0xFFFFC000  }
0x107: {  	_ =	swait.ge [sflag:s11], $0x4000  }
0x108: {  	s1 =	sadd.s32 $0xFFFFFFFF, s1;
	s0 =	rddreg [dreg:$0x9];
	[sflag:s11] =	ssyncset.done $0x0  }
0x109: {  	s25 =	simm.s32 $0x500;
	s26 =	simm.s32 $0x580  }
.LBB2_6:
0x10a: {  	[sflag:s11] =	ssyncadd.s32 @p0 $0xFFFFC000  }
0x10b: {  	[tilespmem:s2], [sflag:$0x1] =	stream.linear.gather [hbm4b:s0+s2], $0x200, $0x38;
	[tilespmem:$0x18600] =	vst v63  }
0x10c: {  	s1 =	rddreg [dreg:$0xa]  }
0x10d: {  	[tilespmem:s29], [sflag:$0x2] =	stream.linear.gather [hbm4b:s1+s2], $0x200, $0x38;
	[tilespmem:$0x18600] =	vst v63  }
0x10e: {  	s0 =	rddreg [dreg:$0xb]  }
0x10f: {  	[tilespmem:s23], [sflag:$0x3] =	stream.linear.gather [hbm4b:s0+s2], $0x200, $0x38;
	[tilespmem:$0x18600] =	vst v63  }
0x110: {  	_ =	swait.ge [sflag:s30], $0x200  }
0x111: {  	[sflag:s30] =	ssyncset.done $0x0  }
0x112: {  	[sflag:s30] =	ssyncadd.s32 $0xFFFFFE00  }
0x113: {  	[tilespmem:s21], [sflag:$0x4] =	stream.indirect.gather [hbm4b:s3+s13], $0x80, s2, s13, $0xb8;
	[tilespmem:$0x18600] =	vst v63  }
0x114: {  	_ = 	snop  }
0x115: {  	[tilespmem:s16], [sflag:$0x5] =	stream.indirect.gather [hbm4b:s3+s13], $0x80, s13, s13, $0xb8;
	[tilespmem:$0x18600] =	vst v63  }
0x116: {  	s1 =	rddreg [dreg:$0x18]  }
0x117: {  	[tilespmem:s14], [sflag:$0x6] =	stream.indirect.gather [hbm4b:s3+s13], $0x80, s1, s13, $0xb8;
	[tilespmem:$0x18600] =	vst v63  }
0x118: {  	s30 =	rddreg [dreg:$0x19]  }
0x119: {  	[tilespmem:s10], [sflag:$0x7] =	stream.indirect.gather [hbm4b:s3+s13], $0x80, s30, s13, $0xb8;
	[tilespmem:$0x18600] =	vst v63  }
0x11a: {  	_ =	swait.ge [sflag:s31], $0x200  }
0x11b: {  	[sflag:s31] =	ssyncset.done $0x0  }
0x11c: {  	[sflag:s31] =	ssyncadd.s32 $0xFFFFFE00  }
0x11d: {  	[tilespmem:s6], [sflag:$0x8] =	stream.indirect.gather [hbm4b:s4+s13], $0x80, s29, s13, $0xb8;
	[tilespmem:$0x18600] =	vst v63  }
0x11e: {  	s1 =	rddreg [dreg:$0x1a]  }
0x11f: {  	[tilespmem:s5], [sflag:$0x9] =	stream.indirect.gather [hbm4b:s4+s13], $0x80, s1, s13, $0xb8;
	[tilespmem:$0x18600] =	vst v63  }
0x120: {  	_ =	swait.ge [sflag:s24], $0x4000  }
0x121: {  	[sflag:s24] =	ssyncset.done $0x0  }
0x122: {  	s29 =	rddreg [dreg:$0xc];
	[sflag:s24] =	ssyncadd.s32 $0xFFFFC000  }
0x123: {  	[hbm4b:s29+s2] =	stream.linear.scatter [tilespmem:s21], [sflag:$0xA], $0x4000, $0x38;
	[tilespmem:$0x18600] =	vst v63  }
0x124: {  	_ =	swait.ge [sflag:s22], $0x4000  }
0x125: {  	[sflag:s22] =	ssyncset.done $0x0  }
0x126: {  	s30 =	rddreg [dreg:$0xd];
	[sflag:s22] =	ssyncadd.s32 $0xFFFFC000  }
0x127: {  	[hbm4b:s30+s2] =	stream.linear.scatter [tilespmem:s16], [sflag:$0xB], $0x4000, $0x38;
	[tilespmem:$0x18600] =	vst v63  }
0x128: {  	_ =	swait.ge [sflag:s18], $0x4000  }
0x129: {  	[sflag:s18] =	ssyncset.done $0x0  }
0x12a: {  	s31 =	rddreg [dreg:$0xe];
	[sflag:s18] =	ssyncadd.s32 $0xFFFFC000  }
0x12b: {  	[hbm4b:s31+s2] =	stream.linear.scatter [tilespmem:s14], [sflag:$0xC], $0x4000, $0x38;
	[tilespmem:$0x18600] =	vst v63  }
0x12c: {  	_ =	swait.ge [sflag:s7], $0x4000  }
0x12d: {  	[sflag:s7] =	ssyncset.done $0x0  }
0x12e: {  	s1 =	rddreg [dreg:$0x1b];
	[sflag:s7] =	ssyncadd.s32 $0xFFFFC000  }
0x12f: {  	[tilespmem:s21], [sflag:$0x4] =	stream.indirect.gather [hbm4b:s4+s13], $0x80, s1, s13, $0xb8;
	[tilespmem:$0x18600] =	vst v63  }
0x130: {  	_ =	swait.ge [sflag:s19], $0x4000  }
0x131: {  	[sflag:s19] =	ssyncset.done $0x0  }
0x132: {  	s29 =	rddreg [dreg:$0xf];
	[sflag:s19] =	ssyncadd.s32 $0xFFFFC000  }
0x133: {  	[hbm4b:s29+s2] =	stream.linear.scatter [tilespmem:s10], [sflag:$0xD], $0x4000, $0x38;
	[tilespmem:$0x18600] =	vst v63  }
0x134: {  	_ =	swait.ge [sflag:s8], $0x4000  }
0x135: {  	[sflag:s8] =	ssyncset.done $0x0  }
0x136: {  	s30 =	rddreg [dreg:$0x1c];
	[sflag:s8] =	ssyncadd.s32 $0xFFFFC000  }
0x137: {  	[tilespmem:s16], [sflag:$0x5] =	stream.indirect.gather [hbm4b:s4+s13], $0x80, s30, s13, $0xb8;
	[tilespmem:$0x18600] =	vst v63  }
0x138: {  	_ =	swait.ge [sflag:s17], $0x4000  }
0x139: {  	[sflag:s17] =	ssyncset.done $0x0  }
0x13a: {  	s31 =	rddreg [dreg:$0x10];
	[sflag:s17] =	ssyncadd.s32 $0xFFFFC000  }
0x13b: {  	[hbm4b:s31+s2] =	stream.linear.scatter [tilespmem:s6], [sflag:$0xE], $0x4000, $0x38;
	[tilespmem:$0x18600] =	vst v63  }
0x13c: {  	_ =	swait.ge [sflag:s9], $0x4000  }
0x13d: {  	[sflag:s9] =	ssyncset.done $0x0  }
0x13e: {  	[sflag:s9] =	ssyncadd.s32 $0xFFFFC000  }
0x13f: {  	_ =	swait.ge [sflag:s28], $0x200  }
0x140: {  	[sflag:s28] =	ssyncset.done $0x0  }
0x141: {  	[sflag:s28] =	ssyncadd.s32 $0xFFFFFE00  }
0x142: {  	[tilespmem:s14], [sflag:$0x6] =	stream.indirect.gather [hbm4b:s3+s13], $0x80, s23, s13, $0xb8;
	[tilespmem:$0x18600] =	vst v63  }
0x143: {  	_ =	swait.ge [sflag:s20], $0x4000  }
0x144: {  	[sflag:s20] =	ssyncset.done $0x0  }
0x145: {  	s1 =	rddreg [dreg:$0x11];
	[sflag:s20] =	ssyncadd.s32 $0xFFFFC000  }
0x146: {  	[hbm4b:s1+s2] =	stream.linear.scatter [tilespmem:s5], [sflag:$0xF], $0x4000, $0x38;
	[tilespmem:$0x18600] =	vst v63  }
0x147: {  	_ =	swait.ge [sflag:s15], $0x4000  }
0x148: {  	[sflag:s15] =	ssyncset.done $0x0  }
0x149: {  	s4 =	rddreg [dreg:$0x1d];
	[sflag:s15] =	ssyncadd.s32 $0xFFFFC000  }
0x14a: {  	[tilespmem:s10], [sflag:$0x7] =	stream.indirect.gather [hbm4b:s3+s13], $0x80, s4, s13, $0xb8;
	[tilespmem:$0x18600] =	vst v63  }
0x14b: {  	_ =	swait.ge [sflag:s24], $0x4000  }
0x14c: {  	[sflag:s24] =	ssyncset.done $0x0  }
0x14d: {  	s23 =	rddreg [dreg:$0x12];
	[sflag:s24] =	ssyncadd.s32 $0xFFFFC000  }
0x14e: {  	[hbm4b:s23+s2] =	stream.linear.scatter [tilespmem:s21], [sflag:$0xA], $0x4000, $0x38;
	[tilespmem:$0x18600] =	vst v63  }
0x14f: {  	_ =	swait.ge [sflag:s12], $0x4000  }
0x150: {  	[sflag:s12] =	ssyncset.done $0x0  }
0x151: {  	[sflag:s12] =	ssyncadd.s32 $0xFFFFC000  }
0x152: {  	[tilespmem:s6], [sflag:$0x8] =	stream.indirect.gather [hbm4b:s3+s13], $0x80, s25, s13, $0xb8;
	[tilespmem:$0x18600] =	vst v63  }
0x153: {  	_ =	swait.ge [sflag:s22], $0x4000  }
0x154: {  	[sflag:s22] =	ssyncset.done $0x0  }
0x155: {  	s25 =	rddreg [dreg:$0x13];
	[sflag:s22] =	ssyncadd.s32 $0xFFFFC000  }
0x156: {  	[hbm4b:s25+s2] =	stream.linear.scatter [tilespmem:s16], [sflag:$0xB], $0x4000, $0x38;
	[tilespmem:$0x18600] =	vst v63  }
0x157: {  	_ =	swait.ge [sflag:s11], $0x4000  }
0x158: {  	[sflag:s11] =	ssyncset.done $0x0  }
0x159: {  	[sflag:s11] =	ssyncadd.s32 $0xFFFFC000  }
0x15a: {  	[tilespmem:s5], [sflag:$0x9] =	stream.indirect.gather [hbm4b:s3+s13], $0x80, s26, s13, $0xb8;
	[tilespmem:$0x18600] =	vst v63  }
0x15b: {  	_ =	swait.ge [sflag:s18], $0x4000  }
0x15c: {  	[sflag:s18] =	ssyncset.done $0x0  }
0x15d: {  	s26 =	rddreg [dreg:$0x14];
	[sflag:s18] =	ssyncadd.s32 $0xFFFFC000  }
0x15e: {  	[hbm4b:s26+s2] =	stream.linear.scatter [tilespmem:s14], [sflag:$0xC], $0x4000, $0x38;
	[tilespmem:$0x18600] =	vst v63  }
0x15f: {  	_ =	swait.ge [sflag:s19], $0x4000  }
0x160: {  	[sflag:s19] =	ssyncset.done $0x0  }
0x161: {  	s28 =	rddreg [dreg:$0x15];
	[sflag:s19] =	ssyncadd.s32 $0xFFFFC000  }
0x162: {  	[hbm4b:s28+s2] =	stream.linear.scatter [tilespmem:s10], [sflag:$0xD], $0x4000, $0x38;
	[tilespmem:$0x18600] =	vst v63  }
0x163: {  	_ =	swait.ge [sflag:s17], $0x4000  }
0x164: {  	[sflag:s17] =	ssyncset.done $0x0  }
0x165: {  	s29 =	rddreg [dreg:$0x16];
	[sflag:s17] =	ssyncadd.s32 $0xFFFFC000  }
0x166: {  	[hbm4b:s29+s2] =	stream.linear.scatter [tilespmem:s6], [sflag:$0xE], $0x4000, $0x38;
	[tilespmem:$0x18600] =	vst v63  }
0x167: {  	_ =	swait.ge [sflag:s20], $0x4000  }
0x168: {  	[sflag:s20] =	ssyncset.done $0x0  }
0x169: {  	s30 =	rddreg [dreg:$0x17];
	[sflag:s20] =	ssyncadd.s32 $0xFFFFC000  }
0x16a: {  	[hbm4b:s30+s2] =	stream.linear.scatter [tilespmem:s5], [sflag:$0xF], $0x4000, $0x38;
	[tilespmem:$0x18600] =	vst v63  }
0x16b: {  	_ =	swait.ge [sflag:s7], $0x4000  }
0x16c: {  	[sflag:s7] =	ssyncset.done $0x0  }
0x16d: {  	[sflag:s7] =	ssyncadd.s32 $0xFFFFC000  }
0x16e: {  	_ =	swait.ge [sflag:s8], $0x4000  }
0x16f: {  	[sflag:s8] =	ssyncset.done $0x0  }
0x170: {  	[sflag:s8] =	ssyncadd.s32 $0xFFFFC000  }
0x171: {  	_ =	swait.ge [sflag:s9], $0x4000  }
0x172: {  	[sflag:s9] =	ssyncset.done $0x0  }
0x173: {  	[sflag:s9] =	ssyncadd.s32 $0xFFFFC000  }
0x174: {  	_ =	swait.ge [sflag:s15], $0x4000  }
0x175: {  	[sflag:s15] =	ssyncset.done $0x0  }
0x176: {  	[sflag:s15] =	ssyncadd.s32 $0xFFFFC000  }
0x177: {  	_ =	swait.ge [sflag:s12], $0x4000  }
0x178: {  	[sflag:s12] =	ssyncset.done $0x0  }
0x179: {  	[sflag:s12] =	ssyncadd.s32 $0xFFFFC000  }
0x17a: {  	_ =	swait.ge [sflag:s11], $0x4000  }
0x17b: {  	[sflag:s11] =	ssyncset.done $0x0  }
0x17c: {  	[sflag:s11] =	ssyncadd.s32 $0xFFFFC000  }
0x17d: {  	_ =	sfence.sel $0x180000  }
0x17e: {  	[bflag:$0x0] =	sbarrier.arrive $0xFFFF  }
0x17f: {  	_ =	strace $0x90000047  }
0x180: {  	s31 =	stileid.u32;
	[bflag:$0x2] =	sbarrier.arrive $0xFFFF  }
0x181: {  	p0 =	sne.s32 s31, $0x0;
	s0 =	rddreg [dreg:$0x8]  }
0x182: {  	s0 =	sadd.s32 @!p0 $0x100000, s0  }
0x183: {  	[sflag:s0] =	ssyncadd.tile.s32 @!p0 $0x1;
	_ =	shalt  }
.LBB2_1:
.Ltmp3:
0x184: {  	(pc) =	sbr.rel .LBB2_6-.Ltmp3, $2  }
0x185: {  	_ =	sdelay $0x2  }
0x186: {  	s25 =	simm.s32 $0x500;
	s26 =	simm.s32 $0x580  }
.LBB2_3:
.Ltmp4:
0x187: {  	(pc) =	sbr.rel .LBB2_6-.Ltmp4, $2  }
0x188: {  	_ =	sdelay $0x2  }
0x189: {  	s25 =	simm.s32 $0x500;
	s26 =	simm.s32 $0x580  }
.Lfunc_end2:
_tile_overlayer_lowered:
.L_overlay_start_2:
0x18a: {  	(tag) =	ssettag $0x2  }
0x18b: {  	s0 =	rddreg [dreg:$0x0];
	s2 =	stileid.u32  }
0x18c: {  	s1 =	rddreg [dreg:$0x1];
	p0 =	sne.s32 s2, $0x0  }
0x18d: {  	s3 =	rddreg [dreg:$0x2];
	[bflag:$0x3] =	sbarrier.arrive $0xFFFF;
	s2 =	simm.s32 @!p0 $0x1C10  }
0x18e: {  	[timem:s3], [sflag:s2] =	dma.local @!p0 [hbm:s0], s1  }
0x18f: {  	s0 =	simm.s32 @!p0 $0x10  }
0x190: {  	_ =	swait.ge @!p0 [sflag:s0], s1  }
0x191: {  	s1 =	ssub.s32 @!p0 $0x0, s1;
	[sflag:s0] =	ssyncset.done @!p0 $0x0  }
0x192: {  	[sflag:s0] =	ssyncadd.s32 @!p0 s1  }
0x193: {  	[bflag:$0x3] =	sbarrier.arrive $0xFFFF  }
0x194: {  	_ =	shalt  }

</sc_bundles>
